<compile_context>
chip_gen: v7x
topology: tpu7x:2x2x1
jax: 0.10.2.dev20260603
libtpu: 0.0.44.dev20260713+nightly
codegen_flags: <defaults>
</compile_context>

<pallas_src>
import functools

import jax
import jax.numpy as jnp
from jax import lax
from jax.experimental import pallas as pl
from jax.experimental.pallas import tpu as pltpu
from jax.experimental.pallas import tpu_sc as plsc

E = 8
S = 2048
M = 1024
F = 4096

TS = 128
FB = 1024
CT = S + E * TS
TT = CT // TS


LW = 128


def _gating_body(gates_ref, pos_ref, g16_ref, off_ref, laux_ref):
    gates = gates_ref[...]

    gm = jnp.max(gates, axis=-1, keepdims=True)
    eq = (gates == gm).astype(jnp.float32)
    ri = lax.broadcasted_iota(jnp.int32, (LW, LW), 0)
    ci = lax.broadcasted_iota(jnp.int32, (LW, LW), 1)
    inc_pref = (ri <= ci).astype(jnp.float32)
    cum = jnp.dot(eq, inc_pref, preferred_element_type=jnp.float32)
    mask = eq * (cum == 1.0).astype(jnp.float32)

    me = jnp.mean(gates, axis=0, keepdims=True)
    ce = jnp.mean(mask, axis=0, keepdims=True)
    laux_ref[...] = jnp.sum(me * ce, keepdims=True) * E

    gate_val = jnp.sum(gates * mask, axis=-1, keepdims=True)
    g16_ref[...] = jnp.broadcast_to(gate_val, (S, 128))

    counts = jnp.sum(mask, axis=0, keepdims=True)
    excl_pref = (ri < ci).astype(jnp.float32)
    pc = jnp.floor((counts + float(TS - 1)) * (1.0 / TS)) * float(TS)
    off_excl = jnp.dot(pc, excl_pref,
                       precision=jax.lax.Precision.HIGHEST,
                       preferred_element_type=jnp.float32)

    BS = 256
    rr = lax.broadcasted_iota(jnp.int32, (BS, BS), 0)
    cc = lax.broadcasted_iota(jnp.int32, (BS, BS), 1)
    lts = (cc < rr).astype(jnp.float32)
    base = jnp.zeros((1, LW), jnp.float32)
    ranks = []
    for b in range(S // BS):
        mb = mask[b * BS:(b + 1) * BS, :]
        intra = jnp.dot(lts, mb, preferred_element_type=jnp.float32)
        ranks.append(intra + base)
        base = base + jnp.sum(mb, axis=0, keepdims=True)
    rank = jnp.concatenate(ranks, axis=0)

    pos = jnp.sum(mask * (rank + off_excl), axis=-1, keepdims=True)
    pos_ref[...] = pos.astype(jnp.int32)

    off_ref[...] = off_excl[:, :2 * E].astype(jnp.int32)


def _gating_call(gates_pad):
    return pl.pallas_call(
        _gating_body,
        out_shape=(
            jax.ShapeDtypeStruct((S, 1), jnp.int32),
            jax.ShapeDtypeStruct((S, 128), jnp.float32),
            jax.ShapeDtypeStruct((1, 2 * E), jnp.int32),
            jax.ShapeDtypeStruct((1, 1), jnp.float32),
        ),
    )(gates_pad)


def _make_sc_calls():
    info = plsc.get_sparse_core_info()
    nc, ns = info.num_cores, info.num_subcores
    nw = nc * ns
    bpw = S // nw
    mesh = plsc.VectorSubcoreMesh(core_axis_name="c", subcore_axis_name="s")

    @functools.partial(
        pl.kernel,
        mesh=mesh,
        out_type=(
            jax.ShapeDtypeStruct((CT, M), jnp.float32),
            jax.ShapeDtypeStruct((CT, 128), jnp.float32),
        ),
        scratch_types=[
            pltpu.VMEM((bpw,), jnp.int32),
            pltpu.VMEM((bpw, M), jnp.float32),
            pltpu.VMEM((bpw, 128), jnp.float32),
            pltpu.SemaphoreType.DMA,
            pltpu.SemaphoreType.DMA,
        ],
    )
    def scatter_k(x_hbm, g_hbm, pos_hbm, xs_hbm, gs_hbm,
                  idx_v, rows_v, g_v, sem1, sem2):
        wid = lax.axis_index("s") * nc + lax.axis_index("c")
        base = wid * bpw
        pltpu.sync_copy(pos_hbm.at[pl.ds(base, bpw)], idx_v)
        pltpu.sync_copy(x_hbm.at[pl.ds(base, bpw)], rows_v)
        pltpu.sync_copy(g_hbm.at[pl.ds(base, bpw)], g_v)
        c1 = pltpu.async_copy(rows_v, xs_hbm.at[idx_v], sem1)
        c2 = pltpu.async_copy(g_v, gs_hbm.at[idx_v], sem2)
        c1.wait()
        c2.wait()

    @functools.partial(
        pl.kernel,
        mesh=mesh,
        out_type=jax.ShapeDtypeStruct((S, M), jnp.float32),

        scratch_types=[
            pltpu.VMEM((bpw,), jnp.int32),
            pltpu.VMEM((bpw, M), jnp.float32),
            pltpu.SemaphoreType.DMA,
        ],
    )
    def gather_k(so_hbm, pos_hbm, out_hbm, idx_v, rows_v, sem):
        wid = lax.axis_index("s") * nc + lax.axis_index("c")
        base = wid * bpw
        pltpu.sync_copy(pos_hbm.at[pl.ds(base, bpw)], idx_v)
        pltpu.async_copy(so_hbm.at[idx_v], rows_v, sem).wait()
        pltpu.sync_copy(rows_v, out_hbm.at[pl.ds(base, bpw)])

    return scatter_k, gather_k


def _ffn_body(meta_ref, xs_ref, gs_ref, w1_ref, w2_ref, out_ref):
    f = pl.program_id(0)
    t = pl.program_id(1)

    @pl.when(t < meta_ref[0])
    def _compute():
        ts0 = pl.multiple_of(t * TS, TS)
        xs = xs_ref[pl.ds(ts0, TS), :]
        g = gs_ref[pl.ds(ts0, TS), 0:1]
        h = jnp.maximum(
            jnp.dot(xs, w1_ref[0], preferred_element_type=jnp.float32), 0.0)
        o = jnp.dot(h, w2_ref[0], preferred_element_type=jnp.float32)

        @pl.when(f == 0)
        def _first():
            out_ref[pl.ds(ts0, TS), :] = o * g

        @pl.when(f > 0)
        def _acc():
            out_ref[pl.ds(ts0, TS), :] += o * g


def _ffn_call(meta, xs, gs, w1, w2):
    grid = (F // FB, TT)
    grid_spec = pltpu.PrefetchScalarGridSpec(
        num_scalar_prefetch=1,
        grid=grid,
        in_specs=[
            pl.BlockSpec((CT, M), lambda f, t, m: (0, 0)),
            pl.BlockSpec((CT, 128), lambda f, t, m: (0, 0)),
            pl.BlockSpec((1, M, FB), lambda f, t, m: (m[1 + t], 0, f)),
            pl.BlockSpec((1, FB, M), lambda f, t, m: (m[1 + t], f, 0)),
        ],
        out_specs=pl.BlockSpec((CT, M), lambda f, t, m: (0, 0)),
    )
    return pl.pallas_call(
        _ffn_body,
        grid_spec=grid_spec,
        out_shape=jax.ShapeDtypeStruct((CT, M), jnp.float32),
        compiler_params=pltpu.CompilerParams(
            dimension_semantics=("arbitrary", "arbitrary")),
    )(meta, xs, gs, w1, w2)


def kernel(hidden_states, wg, w1, w2):
    gates = jax.nn.softmax(hidden_states @ wg, axis=-1)
    gates_pad = jnp.pad(gates, ((0, 0), (0, LW - E)))
    pos2, gate16, off2, laux = _gating_call(gates_pad)
    pos = pos2.reshape(S)
    aoff = off2.reshape(2 * E)

    ntiles = aoff[E] // TS
    tstarts = jnp.arange(TT, dtype=jnp.int32) * TS
    te = jnp.sum((aoff[None, :E] <= tstarts[:, None]).astype(jnp.int32),
                 axis=1) - 1
    meta = jnp.concatenate([ntiles[None], te]).astype(jnp.int32)

    scatter_k, gather_k = _make_sc_calls()
    xs, gs = scatter_k(hidden_states, gate16, pos)
    so = _ffn_call(meta, xs, gs, w1, w2)
    out = gather_k(so, pos)
    return out, laux.reshape(())

# --- scband reference (transcript-rebuilt; emitter-appended) ---
"""Pipeline reference for scband-mo-e-3925600108741 (READ-ONLY COPY).

The authoritative reference and input builder live on the scoring server;
editing this copy changes nothing except your own understanding.
"""

import jax, jax.numpy as jnp
import numpy as np

E = 8
S = 2048
M = 1024
F = 4096

def setup_inputs(seed: int = 0):
    key = jax.random.key(seed)
    k1, k2, k3, k4 = jax.random.split(key, 4)
    hidden_states = jax.random.normal(k1, (S, M), dtype=jnp.float32)
    wg = jax.random.normal(k2, (M, E), dtype=jnp.float32) * 0.02
    w1 = jax.random.normal(k3, (E, M, F), dtype=jnp.float32) * 0.02
    w2 = jax.random.normal(k4, (E, F, M), dtype=jnp.float32) * 0.02
    return {"hidden_states": hidden_states, "wg": wg, "w1": w1, "w2": w2}

def reference(hidden_states, wg, w1, w2):
    # TopKGate with k=1 (DeepSpeed top1gating, GShard-style dense dispatch)
    logits = hidden_states @ wg                       # [S, E]
    gates = jax.nn.softmax(logits, axis=-1)           # [S, E]
    idx = jnp.argmax(gates, axis=-1)                  # [S]
    mask = jax.nn.one_hot(idx, E, dtype=gates.dtype)  # [S, E]
    # load-balancing auxiliary loss: l_aux = E * sum(me * ce)
    me = jnp.mean(gates, axis=0)
    ce = jnp.mean(mask, axis=0)
    l_aux = jnp.sum(me * ce) * E
    # combine weights: gate value of the selected expert
    gate_val = jnp.sum(gates * mask, axis=-1, keepdims=True)  # [S, 1]
    combine = mask * gate_val                                  # [S, E]
    # dispatch tokens to experts (dense einsum dispatch)
    dispatched = jnp.einsum('se,sm->esm', mask, hidden_states)  # [E, S, M]
    # Experts: per-expert FFN  relu(x @ w1) @ w2
    h = jnp.maximum(jnp.einsum('esm,emf->esf', dispatched, w1), 0.0)
    expert_out = jnp.einsum('esf,efm->esm', h, w2)
    # combine expert outputs back per token
    output = jnp.einsum('se,esm->sm', combine, expert_out)      # [S, M]
    # output dropout: eval mode -> identity
    return (output, l_aux)

if __name__ == "__main__":
    import jax
    _d = setup_inputs()
    print(jax.jit(kernel)(*tuple(_d.values())))

</pallas_src>

<mosaic_0001>
#map = affine_map<(d0, d1) -> (0, 0)>
#map1 = affine_map<(d0, d1) -> (0)>
module attributes {stable_mosaic.version = 14 : i64} {
  func.func @gather_k(%arg0: i32, %arg1: i32, %arg2: memref<3072x1024xf32, #tpu.memory_space<hbm>>, %arg3: memref<2048xi32, #tpu.memory_space<hbm>>, %arg4: memref<2048x1024xf32, #tpu.memory_space<hbm>>, %arg5: memref<64xi32, #tpu.memory_space<vmem>>, %arg6: memref<64x1024xf32, #tpu.memory_space<vmem>>, %arg7: memref<!tpu.dma_semaphore, #tpu.memory_space<semaphore_mem>>) attributes {dimension_semantics = [#tpu.dimension_semantics<core_parallel>, #tpu.dimension_semantics<subcore_parallel>], iteration_bounds = array<i64: 2, 16>, scalar_prefetch = 0 : i64, scratch_operands = 3 : i64, tpu.core_type = #tpu.core_type<sc_vector_subcore>, window_params = [{transform_indices = #map}, {transform_indices = #map1}, {transform_indices = #map}]} {
    %mul3A = arith.constant 2 : i32
    %mul3A_0 = arith.muli %arg1, %mul3A : i32
    %add3A = arith.addi %mul3A_0, %arg0 : i32
    %mul3A_1 = arith.constant 64 : i32
    %mul3A_2 = arith.muli %add3A, %mul3A_1 : i32
    "tpu.region"() ({
      %run_scoped3A = tpu.sem_alloc : memref<!tpu.dma_semaphore, #tpu.memory_space<semaphore_mem>>
      %dma_start3A_7 = tpu.memref_slice %arg3[%mul3A_2] : memref<2048xi32, #tpu.memory_space<hbm>> -> memref<64xi32, #tpu.memory_space<hbm>>
      %dma_start3A_8 = tpu.memref_slice %arg3[%mul3A_2] : memref<2048xi32, #tpu.memory_space<hbm>> -> memref<64xi32, #tpu.memory_space<hbm>>
      tpu.enqueue_dma source(%dma_start3A_8 : memref<64xi32, #tpu.memory_space<hbm>>) target(%arg5 : memref<64xi32, #tpu.memory_space<vmem>>) target_semaphore(%run_scoped3A : memref<!tpu.dma_semaphore, #tpu.memory_space<semaphore_mem>>)
      %dma_wait3A_9 = tpu.memref_slice %arg3[%mul3A_2] : memref<2048xi32, #tpu.memory_space<hbm>> -> memref<64xi32, #tpu.memory_space<hbm>>
      %dma_wait3A_10 = tpu.memref_slice %arg3[%mul3A_2] : memref<2048xi32, #tpu.memory_space<hbm>> -> memref<64xi32, #tpu.memory_space<hbm>>
      tpu.wait_dma2 semaphore(%run_scoped3A : memref<!tpu.dma_semaphore, #tpu.memory_space<semaphore_mem>>) src(%dma_wait3A_10 : memref<64xi32, #tpu.memory_space<hbm>>) dst(%arg5 : memref<64xi32, #tpu.memory_space<vmem>>)
      tpu.yield
    }) : () -> ()
    %dma_start3A = arith.constant 0 : i32
    %dma_start3A_3 = arith.constant 0 : i32
    %dma_start3A_4 = tpu.memref_slice %arg2[%dma_start3A, %dma_start3A_3] : memref<3072x1024xf32, #tpu.memory_space<hbm>> -> memref<3072x1024xf32, #tpu.memory_space<hbm>>
    tpu.enqueue_indirect_dma source(%dma_start3A_4 : memref<3072x1024xf32, #tpu.memory_space<hbm>>) target(%arg6 : memref<64x1024xf32, #tpu.memory_space<vmem>>) offsets(%arg5 : memref<64xi32, #tpu.memory_space<vmem>>) semaphore(%arg7 : memref<!tpu.dma_semaphore, #tpu.memory_space<semaphore_mem>>)
    %dma_wait3A = arith.constant 0 : i32
    %dma_wait3A_5 = arith.constant 0 : i32
    %dma_wait3A_6 = tpu.memref_slice %arg2[%dma_wait3A, %dma_wait3A_5] : memref<3072x1024xf32, #tpu.memory_space<hbm>> -> memref<3072x1024xf32, #tpu.memory_space<hbm>>
    tpu.wait_indirect_dma semaphore(%arg7 : memref<!tpu.dma_semaphore, #tpu.memory_space<semaphore_mem>>) src(%dma_wait3A_6 : memref<3072x1024xf32, #tpu.memory_space<hbm>>) dst(%arg6 : memref<64x1024xf32, #tpu.memory_space<vmem>>)
    "tpu.region"() ({
      %run_scoped3A = tpu.sem_alloc : memref<!tpu.dma_semaphore, #tpu.memory_space<semaphore_mem>>
      %dma_start3A_7 = arith.constant 0 : i32
      %dma_start3A_8 = tpu.memref_slice %arg4[%mul3A_2, %dma_start3A_7] : memref<2048x1024xf32, #tpu.memory_space<hbm>> -> memref<64x1024xf32, #tpu.memory_space<hbm>>
      %dma_start3A_9 = arith.constant 0 : i32
      %dma_start3A_10 = tpu.memref_slice %arg4[%mul3A_2, %dma_start3A_9] : memref<2048x1024xf32, #tpu.memory_space<hbm>> -> memref<64x1024xf32, #tpu.memory_space<hbm>>
      tpu.enqueue_dma source(%arg6 : memref<64x1024xf32, #tpu.memory_space<vmem>>) target(%dma_start3A_10 : memref<64x1024xf32, #tpu.memory_space<hbm>>) target_semaphore(%run_scoped3A : memref<!tpu.dma_semaphore, #tpu.memory_space<semaphore_mem>>)
      %dma_wait3A_11 = arith.constant 0 : i32
      %dma_wait3A_12 = tpu.memref_slice %arg4[%mul3A_2, %dma_wait3A_11] : memref<2048x1024xf32, #tpu.memory_space<hbm>> -> memref<64x1024xf32, #tpu.memory_space<hbm>>
      %dma_wait3A_13 = arith.constant 0 : i32
      %dma_wait3A_14 = tpu.memref_slice %arg4[%mul3A_2, %dma_wait3A_13] : memref<2048x1024xf32, #tpu.memory_space<hbm>> -> memref<64x1024xf32, #tpu.memory_space<hbm>>
      tpu.wait_dma2 semaphore(%run_scoped3A : memref<!tpu.dma_semaphore, #tpu.memory_space<semaphore_mem>>) src(%arg6 : memref<64x1024xf32, #tpu.memory_space<vmem>>) dst(%dma_wait3A_14 : memref<64x1024xf32, #tpu.memory_space<hbm>>)
      tpu.yield
    }) : () -> ()
    return
  }
}

#map = affine_map<(d0, d1) -> (0, 0)>
#map1 = affine_map<(d0, d1) -> (0)>
module attributes {stable_mosaic.version = 14 : i64} {
  func.func @scatter_k(%arg0: i32, %arg1: i32, %arg2: memref<2048x1024xf32, #tpu.memory_space<hbm>>, %arg3: memref<2048x128xf32, #tpu.memory_space<hbm>>, %arg4: memref<2048xi32, #tpu.memory_space<hbm>>, %arg5: memref<3072x1024xf32, #tpu.memory_space<hbm>>, %arg6: memref<3072x128xf32, #tpu.memory_space<hbm>>, %arg7: memref<64xi32, #tpu.memory_space<vmem>>, %arg8: memref<64x1024xf32, #tpu.memory_space<vmem>>, %arg9: memref<64x128xf32, #tpu.memory_space<vmem>>, %arg10: memref<!tpu.dma_semaphore, #tpu.memory_space<semaphore_mem>>, %arg11: memref<!tpu.dma_semaphore, #tpu.memory_space<semaphore_mem>>) attributes {dimension_semantics = [#tpu.dimension_semantics<core_parallel>, #tpu.dimension_semantics<subcore_parallel>], iteration_bounds = array<i64: 2, 16>, scalar_prefetch = 0 : i64, scratch_operands = 5 : i64, tpu.core_type = #tpu.core_type<sc_vector_subcore>, window_params = [{transform_indices = #map}, {transform_indices = #map}, {transform_indices = #map1}, {transform_indices = #map}, {transform_indices = #map}]} {
    %mul3A = arith.constant 2 : i32
    %mul3A_0 = arith.muli %arg1, %mul3A : i32
    %add3A = arith.addi %mul3A_0, %arg0 : i32
    %mul3A_1 = arith.constant 64 : i32
    %mul3A_2 = arith.muli %add3A, %mul3A_1 : i32
    "tpu.region"() ({
      %run_scoped3A = tpu.sem_alloc : memref<!tpu.dma_semaphore, #tpu.memory_space<semaphore_mem>>
      %dma_start3A_13 = tpu.memref_slice %arg4[%mul3A_2] : memref<2048xi32, #tpu.memory_space<hbm>> -> memref<64xi32, #tpu.memory_space<hbm>>
      %dma_start3A_14 = tpu.memref_slice %arg4[%mul3A_2] : memref<2048xi32, #tpu.memory_space<hbm>> -> memref<64xi32, #tpu.memory_space<hbm>>
      tpu.enqueue_dma source(%dma_start3A_14 : memref<64xi32, #tpu.memory_space<hbm>>) target(%arg7 : memref<64xi32, #tpu.memory_space<vmem>>) target_semaphore(%run_scoped3A : memref<!tpu.dma_semaphore, #tpu.memory_space<semaphore_mem>>)
      %dma_wait3A_15 = tpu.memref_slice %arg4[%mul3A_2] : memref<2048xi32, #tpu.memory_space<hbm>> -> memref<64xi32, #tpu.memory_space<hbm>>
      %dma_wait3A_16 = tpu.memref_slice %arg4[%mul3A_2] : memref<2048xi32, #tpu.memory_space<hbm>> -> memref<64xi32, #tpu.memory_space<hbm>>
      tpu.wait_dma2 semaphore(%run_scoped3A : memref<!tpu.dma_semaphore, #tpu.memory_space<semaphore_mem>>) src(%dma_wait3A_16 : memref<64xi32, #tpu.memory_space<hbm>>) dst(%arg7 : memref<64xi32, #tpu.memory_space<vmem>>)
      tpu.yield
    }) : () -> ()
    "tpu.region"() ({
      %run_scoped3A = tpu.sem_alloc : memref<!tpu.dma_semaphore, #tpu.memory_space<semaphore_mem>>
      %dma_start3A_13 = arith.constant 0 : i32
      %dma_start3A_14 = tpu.memref_slice %arg2[%mul3A_2, %dma_start3A_13] : memref<2048x1024xf32, #tpu.memory_space<hbm>> -> memref<64x1024xf32, #tpu.memory_space<hbm>>
      %dma_start3A_15 = arith.constant 0 : i32
      %dma_start3A_16 = tpu.memref_slice %arg2[%mul3A_2, %dma_start3A_15] : memref<2048x1024xf32, #tpu.memory_space<hbm>> -> memref<64x1024xf32, #tpu.memory_space<hbm>>
      tpu.enqueue_dma source(%dma_start3A_16 : memref<64x1024xf32, #tpu.memory_space<hbm>>) target(%arg8 : memref<64x1024xf32, #tpu.memory_space<vmem>>) target_semaphore(%run_scoped3A : memref<!tpu.dma_semaphore, #tpu.memory_space<semaphore_mem>>)
      %dma_wait3A_17 = arith.constant 0 : i32
      %dma_wait3A_18 = tpu.memref_slice %arg2[%mul3A_2, %dma_wait3A_17] : memref<2048x1024xf32, #tpu.memory_space<hbm>> -> memref<64x1024xf32, #tpu.memory_space<hbm>>
      %dma_wait3A_19 = arith.constant 0 : i32
      %dma_wait3A_20 = tpu.memref_slice %arg2[%mul3A_2, %dma_wait3A_19] : memref<2048x1024xf32, #tpu.memory_space<hbm>> -> memref<64x1024xf32, #tpu.memory_space<hbm>>
      tpu.wait_dma2 semaphore(%run_scoped3A : memref<!tpu.dma_semaphore, #tpu.memory_space<semaphore_mem>>) src(%dma_wait3A_20 : memref<64x1024xf32, #tpu.memory_space<hbm>>) dst(%arg8 : memref<64x1024xf32, #tpu.memory_space<vmem>>)
      tpu.yield
    }) : () -> ()
    "tpu.region"() ({
      %run_scoped3A = tpu.sem_alloc : memref<!tpu.dma_semaphore, #tpu.memory_space<semaphore_mem>>
      %dma_start3A_13 = arith.constant 0 : i32
      %dma_start3A_14 = tpu.memref_slice %arg3[%mul3A_2, %dma_start3A_13] : memref<2048x128xf32, #tpu.memory_space<hbm>> -> memref<64x128xf32, #tpu.memory_space<hbm>>
      %dma_start3A_15 = arith.constant 0 : i32
      %dma_start3A_16 = tpu.memref_slice %arg3[%mul3A_2, %dma_start3A_15] : memref<2048x128xf32, #tpu.memory_space<hbm>> -> memref<64x128xf32, #tpu.memory_space<hbm>>
      tpu.enqueue_dma source(%dma_start3A_16 : memref<64x128xf32, #tpu.memory_space<hbm>>) target(%arg9 : memref<64x128xf32, #tpu.memory_space<vmem>>) target_semaphore(%run_scoped3A : memref<!tpu.dma_semaphore, #tpu.memory_space<semaphore_mem>>)
      %dma_wait3A_17 = arith.constant 0 : i32
      %dma_wait3A_18 = tpu.memref_slice %arg3[%mul3A_2, %dma_wait3A_17] : memref<2048x128xf32, #tpu.memory_space<hbm>> -> memref<64x128xf32, #tpu.memory_space<hbm>>
      %dma_wait3A_19 = arith.constant 0 : i32
      %dma_wait3A_20 = tpu.memref_slice %arg3[%mul3A_2, %dma_wait3A_19] : memref<2048x128xf32, #tpu.memory_space<hbm>> -> memref<64x128xf32, #tpu.memory_space<hbm>>
      tpu.wait_dma2 semaphore(%run_scoped3A : memref<!tpu.dma_semaphore, #tpu.memory_space<semaphore_mem>>) src(%dma_wait3A_20 : memref<64x128xf32, #tpu.memory_space<hbm>>) dst(%arg9 : memref<64x128xf32, #tpu.memory_space<vmem>>)
      tpu.yield
    }) : () -> ()
    %dma_start3A = arith.constant 0 : i32
    %dma_start3A_3 = arith.constant 0 : i32
    %dma_start3A_4 = tpu.memref_slice %arg5[%dma_start3A, %dma_start3A_3] : memref<3072x1024xf32, #tpu.memory_space<hbm>> -> memref<3072x1024xf32, #tpu.memory_space<hbm>>
    tpu.enqueue_indirect_dma source(%arg8 : memref<64x1024xf32, #tpu.memory_space<vmem>>) target(%dma_start3A_4 : memref<3072x1024xf32, #tpu.memory_space<hbm>>) offsets(%arg7 : memref<64xi32, #tpu.memory_space<vmem>>) semaphore(%arg10 : memref<!tpu.dma_semaphore, #tpu.memory_space<semaphore_mem>>)
    %dma_start3A_5 = arith.constant 0 : i32
    %dma_start3A_6 = arith.constant 0 : i32
    %dma_start3A_7 = tpu.memref_slice %arg6[%dma_start3A_5, %dma_start3A_6] : memref<3072x128xf32, #tpu.memory_space<hbm>> -> memref<3072x128xf32, #tpu.memory_space<hbm>>
    tpu.enqueue_indirect_dma source(%arg9 : memref<64x128xf32, #tpu.memory_space<vmem>>) target(%dma_start3A_7 : memref<3072x128xf32, #tpu.memory_space<hbm>>) offsets(%arg7 : memref<64xi32, #tpu.memory_space<vmem>>) semaphore(%arg11 : memref<!tpu.dma_semaphore, #tpu.memory_space<semaphore_mem>>)
    %dma_wait3A = arith.constant 0 : i32
    %dma_wait3A_8 = arith.constant 0 : i32
    %dma_wait3A_9 = tpu.memref_slice %arg5[%dma_wait3A, %dma_wait3A_8] : memref<3072x1024xf32, #tpu.memory_space<hbm>> -> memref<3072x1024xf32, #tpu.memory_space<hbm>>
    tpu.wait_indirect_dma semaphore(%arg10 : memref<!tpu.dma_semaphore, #tpu.memory_space<semaphore_mem>>) src(%arg8 : memref<64x1024xf32, #tpu.memory_space<vmem>>) dst(%dma_wait3A_9 : memref<3072x1024xf32, #tpu.memory_space<hbm>>)
    %dma_wait3A_10 = arith.constant 0 : i32
    %dma_wait3A_11 = arith.constant 0 : i32
    %dma_wait3A_12 = tpu.memref_slice %arg6[%dma_wait3A_10, %dma_wait3A_11] : memref<3072x128xf32, #tpu.memory_space<hbm>> -> memref<3072x128xf32, #tpu.memory_space<hbm>>
    tpu.wait_indirect_dma semaphore(%arg11 : memref<!tpu.dma_semaphore, #tpu.memory_space<semaphore_mem>>) src(%arg9 : memref<64x128xf32, #tpu.memory_space<vmem>>) dst(%dma_wait3A_12 : memref<3072x128xf32, #tpu.memory_space<hbm>>)
    return
  }
}

module attributes {stable_mosaic.version = 14 : i64} {
  func.func @_gating_body(%arg0: memref<2048x128xf32, #tpu.memory_space<vmem>>, %arg1: memref<2048x1xi32, #tpu.memory_space<vmem>>, %arg2: memref<2048x128xf32, #tpu.memory_space<vmem>>, %arg3: memref<1x16xi32, #tpu.memory_space<vmem>>, %arg4: memref<1x1xf32, #tpu.memory_space<vmem>>) attributes {dimension_semantics = [], scalar_prefetch = 0 : i64, scratch_operands = 0 : i64, tpu.core_type = #tpu.core_type<tc>} {
    %get3A = arith.constant 0 : index
    %get3A_0 = arith.constant 0 : index
    %get3A_1 = vector.load %arg0[%get3A, %get3A_0] : memref<2048x128xf32, #tpu.memory_space<vmem>>, vector<2048x128xf32>
    %reduce_max3A = arith.constant dense<0xFF800000> : vector<2048xf32>
    %reduce_max3A_2 = vector.multi_reduction <maximumf>, %get3A_1, %reduce_max3A [1] : vector<2048x128xf32> to vector<2048xf32>
    %broadcast_in_dim3A = vector.shape_cast %reduce_max3A_2 : vector<2048xf32> to vector<2048x1xf32>
    %eq3A = vector.broadcast %broadcast_in_dim3A : vector<2048x1xf32> to vector<2048x128xf32>
    %eq3A_3 = arith.cmpf oeq, %get3A_1, %eq3A : vector<2048x128xf32>
    %convert_element_type3A = arith.extui %eq3A_3 : vector<2048x128xi1> to vector<2048x128xi32>
    %convert_element_type3A_4 = arith.sitofp %convert_element_type3A : vector<2048x128xi32> to vector<2048x128xf32>
    %iota3A = tpu.iota {dimensions = array<i32: 0>} : vector<128x128xi32>
    %iota3A_5 = tpu.iota {dimensions = array<i32: 1>} : vector<128x128xi32>
    %le3A = arith.cmpi sle, %iota3A, %iota3A_5 : vector<128x128xi32>
    %convert_element_type3A_6 = arith.extui %le3A : vector<128x128xi1> to vector<128x128xi32>
    %convert_element_type3A_7 = arith.sitofp %convert_element_type3A_6 : vector<128x128xi32> to vector<128x128xf32>
    %dot_general3A = arith.constant dense<0.000000e+00> : vector<2048x128xf32>
    %dot_general3A_8 = tpu.matmul %convert_element_type3A_4, %convert_element_type3A_7, %dot_general3A {dimension_numbers = #tpu.dot_dimension_numbers<[1], [0], [0], [1], [0, 0, 1, 1], [], []>, transpose_lhs_hint = false} : vector<2048x128xf32>, vector<128x128xf32>, vector<2048x128xf32> -> vector<2048x128xf32>
    %eq3A_9 = arith.constant 1.000000e+00 : f32
    %eq3A_10 = vector.broadcast %eq3A_9 : f32 to vector<2048x128xf32>
    %eq3A_11 = arith.cmpf oeq, %dot_general3A_8, %eq3A_10 : vector<2048x128xf32>
    %convert_element_type3A_12 = arith.extui %eq3A_11 : vector<2048x128xi1> to vector<2048x128xi32>
    %convert_element_type3A_13 = arith.sitofp %convert_element_type3A_12 : vector<2048x128xi32> to vector<2048x128xf32>
    %mul3A = arith.mulf %convert_element_type3A_4, %convert_element_type3A_13 : vector<2048x128xf32>
    %reduce_sum3A = arith.constant dense<0.000000e+00> : vector<128xf32>
    %reduce_sum3A_14 = vector.multi_reduction <add>, %get3A_1, %reduce_sum3A [0] : vector<2048x128xf32> to vector<128xf32>
    %broadcast_in_dim3A_15 = vector.shape_cast %reduce_sum3A_14 : vector<128xf32> to vector<1x128xf32>
    %div3A = arith.constant 2.048000e+03 : f32
    %div3A_16 = vector.broadcast %div3A : f32 to vector<1x128xf32>
    %div3A_17 = arith.divf %broadcast_in_dim3A_15, %div3A_16 : vector<1x128xf32>
    %reduce_sum3A_18 = arith.constant dense<0.000000e+00> : vector<128xf32>
    %reduce_sum3A_19 = vector.multi_reduction <add>, %mul3A, %reduce_sum3A_18 [0] : vector<2048x128xf32> to vector<128xf32>
    %broadcast_in_dim3A_20 = vector.shape_cast %reduce_sum3A_19 : vector<128xf32> to vector<1x128xf32>
    %div3A_21 = arith.constant 2.048000e+03 : f32
    %div3A_22 = vector.broadcast %div3A_21 : f32 to vector<1x128xf32>
    %div3A_23 = arith.divf %broadcast_in_dim3A_20, %div3A_22 : vector<1x128xf32>
    %mul3A_24 = arith.mulf %div3A_17, %div3A_23 : vector<1x128xf32>
    %reduce_sum3A_25 = vector.shape_cast %mul3A_24 : vector<1x128xf32> to vector<1x1x128xf32>
    %reduce_sum3A_26 = arith.constant dense<0.000000e+00> : vector<1xf32>
    %reduce_sum3A_27 = vector.multi_reduction <add>, %reduce_sum3A_25, %reduce_sum3A_26 [1, 2] : vector<1x1x128xf32> to vector<1xf32>
    %reduce_sum3A_28 = vector.shape_cast %reduce_sum3A_27 : vector<1xf32> to vector<1x1x1xf32>
    %reduce_sum3A_29 = vector.extract %reduce_sum3A_28[0, 0, 0] : f32 from vector<1x1x1xf32>
    %broadcast_in_dim3A_30 = vector.broadcast %reduce_sum3A_29 : f32 to vector<1x1xf32>
    %mul3A_31 = arith.constant 8.000000e+00 : f32
    %mul3A_32 = vector.broadcast %mul3A_31 : f32 to vector<1x1xf32>
    %mul3A_33 = arith.mulf %broadcast_in_dim3A_30, %mul3A_32 : vector<1x1xf32>
    %swap3A = arith.constant 0 : index
    %swap3A_34 = arith.constant 0 : index
    %swap3A_35 = vector.load %arg4[%swap3A, %swap3A_34] : memref<1x1xf32, #tpu.memory_space<vmem>>, vector<1x1xf32>
    tpu.vector_store %arg4[%swap3A, %swap3A_34], %mul3A_33 {strides = array<i32>} : memref<1x1xf32, #tpu.memory_space<vmem>>, vector<1x1xf32>,
    %mul3A_36 = arith.mulf %get3A_1, %mul3A : vector<2048x128xf32>
    %reduce_sum3A_37 = arith.constant dense<0.000000e+00> : vector<2048xf32>
    %reduce_sum3A_38 = vector.multi_reduction <add>, %mul3A_36, %reduce_sum3A_37 [1] : vector<2048x128xf32> to vector<2048xf32>
    %broadcast_in_dim3A_39 = vector.shape_cast %reduce_sum3A_38 : vector<2048xf32> to vector<2048x1xf32>
    %broadcast_in_dim3A_40 = vector.shape_cast %broadcast_in_dim3A_39 : vector<2048x1xf32> to vector<2048x1xf32>
    %broadcast_in_dim3A_41 = vector.broadcast %broadcast_in_dim3A_40 : vector<2048x1xf32> to vector<2048x128xf32>
    %swap3A_42 = arith.constant 0 : index
    %swap3A_43 = arith.constant 0 : index
    %swap3A_44 = vector.load %arg2[%swap3A_42, %swap3A_43] : memref<2048x128xf32, #tpu.memory_space<vmem>>, vector<2048x128xf32>
    tpu.vector_store %arg2[%swap3A_42, %swap3A_43], %broadcast_in_dim3A_41 {strides = array<i32>} : memref<2048x128xf32, #tpu.memory_space<vmem>>, vector<2048x128xf32>,
    %reduce_sum3A_45 = arith.constant dense<0.000000e+00> : vector<128xf32>
    %reduce_sum3A_46 = vector.multi_reduction <add>, %mul3A, %reduce_sum3A_45 [0] : vector<2048x128xf32> to vector<128xf32>
    %broadcast_in_dim3A_47 = vector.shape_cast %reduce_sum3A_46 : vector<128xf32> to vector<1x128xf32>
    %lt3A = arith.cmpi slt, %iota3A, %iota3A_5 : vector<128x128xi32>
    %convert_element_type3A_48 = arith.extui %lt3A : vector<128x128xi1> to vector<128x128xi32>
    %convert_element_type3A_49 = arith.sitofp %convert_element_type3A_48 : vector<128x128xi32> to vector<128x128xf32>
    %add3A = arith.constant 1.270000e+02 : f32
    %add3A_50 = vector.broadcast %add3A : f32 to vector<1x128xf32>
    %add3A_51 = arith.addf %broadcast_in_dim3A_47, %add3A_50 : vector<1x128xf32>
    %mul3A_52 = arith.constant 7.812500e-03 : f32
    %mul3A_53 = vector.broadcast %mul3A_52 : f32 to vector<1x128xf32>
    %mul3A_54 = arith.mulf %add3A_51, %mul3A_53 : vector<1x128xf32>
    %floor3A = math.floor %mul3A_54 : vector<1x128xf32>
    %mul3A_55 = arith.constant 1.280000e+02 : f32
    %mul3A_56 = vector.broadcast %mul3A_55 : f32 to vector<1x128xf32>
    %mul3A_57 = arith.mulf %floor3A, %mul3A_56 : vector<1x128xf32>
    %dot_general3A_58 = arith.constant dense<0.000000e+00> : vector<1x128xf32>
    %dot_general3A_59 = tpu.matmul %mul3A_57, %convert_element_type3A_49, %dot_general3A_58 {dimension_numbers = #tpu.dot_dimension_numbers<[1], [0], [0], [1], [0, 0, 1, 1], [], []>, precision = #tpu.contract_precision<fp32>, transpose_lhs_hint = false} : vector<1x128xf32>, vector<128x128xf32>, vector<1x128xf32> -> vector<1x128xf32>
    %iota3A_60 = tpu.iota {dimensions = array<i32: 0>} : vector<256x256xi32>
    %iota3A_61 = tpu.iota {dimensions = array<i32: 1>} : vector<256x256xi32>
    %lt3A_62 = arith.cmpi slt, %iota3A_61, %iota3A_60 : vector<256x256xi32>
    %convert_element_type3A_63 = arith.extui %lt3A_62 : vector<256x256xi1> to vector<256x256xi32>
    %convert_element_type3A_64 = arith.sitofp %convert_element_type3A_63 : vector<256x256xi32> to vector<256x256xf32>
    %broadcast_in_dim3A_65 = arith.constant 0.000000e+00 : f32
    %broadcast_in_dim3A_66 = vector.broadcast %broadcast_in_dim3A_65 : f32 to vector<1x128xf32>
    %slice3A = vector.extract_strided_slice %mul3A {offsets = [0, 0], sizes = [256, 128], strides = [1, 1]} : vector<2048x128xf32> to vector<256x128xf32>
    %dot_general3A_67 = arith.constant dense<0.000000e+00> : vector<256x128xf32>
    %dot_general3A_68 = tpu.matmul %convert_element_type3A_64, %slice3A, %dot_general3A_67 {dimension_numbers = #tpu.dot_dimension_numbers<[1], [0], [0], [1], [0, 0, 1, 1], [], []>, transpose_lhs_hint = false} : vector<256x256xf32>, vector<256x128xf32>, vector<256x128xf32> -> vector<256x128xf32>
    %add3A_69 = vector.broadcast %broadcast_in_dim3A_66 : vector<1x128xf32> to vector<256x128xf32>
    %add3A_70 = arith.addf %dot_general3A_68, %add3A_69 : vector<256x128xf32>
    %reduce_sum3A_71 = arith.constant dense<0.000000e+00> : vector<128xf32>
    %reduce_sum3A_72 = vector.multi_reduction <add>, %slice3A, %reduce_sum3A_71 [0] : vector<256x128xf32> to vector<128xf32>
    %broadcast_in_dim3A_73 = vector.shape_cast %reduce_sum3A_72 : vector<128xf32> to vector<1x128xf32>
    %add3A_74 = arith.addf %broadcast_in_dim3A_66, %broadcast_in_dim3A_73 : vector<1x128xf32>
    %slice3A_75 = vector.extract_strided_slice %mul3A {offsets = [256, 0], sizes = [256, 128], strides = [1, 1]} : vector<2048x128xf32> to vector<256x128xf32>
    %dot_general3A_76 = arith.constant dense<0.000000e+00> : vector<256x128xf32>
    %dot_general3A_77 = tpu.matmul %convert_element_type3A_64, %slice3A_75, %dot_general3A_76 {dimension_numbers = #tpu.dot_dimension_numbers<[1], [0], [0], [1], [0, 0, 1, 1], [], []>, transpose_lhs_hint = false} : vector<256x256xf32>, vector<256x128xf32>, vector<256x128xf32> -> vector<256x128xf32>
    %add3A_78 = vector.broadcast %add3A_74 : vector<1x128xf32> to vector<256x128xf32>
    %add3A_79 = arith.addf %dot_general3A_77, %add3A_78 : vector<256x128xf32>
    %reduce_sum3A_80 = arith.constant dense<0.000000e+00> : vector<128xf32>
    %reduce_sum3A_81 = vector.multi_reduction <add>, %slice3A_75, %reduce_sum3A_80 [0] : vector<256x128xf32> to vector<128xf32>
    %broadcast_in_dim3A_82 = vector.shape_cast %reduce_sum3A_81 : vector<128xf32> to vector<1x128xf32>
    %add3A_83 = arith.addf %add3A_74, %broadcast_in_dim3A_82 : vector<1x128xf32>
    %slice3A_84 = vector.extract_strided_slice %mul3A {offsets = [512, 0], sizes = [256, 128], strides = [1, 1]} : vector<2048x128xf32> to vector<256x128xf32>
    %dot_general3A_85 = arith.constant dense<0.000000e+00> : vector<256x128xf32>
    %dot_general3A_86 = tpu.matmul %convert_element_type3A_64, %slice3A_84, %dot_general3A_85 {dimension_numbers = #tpu.dot_dimension_numbers<[1], [0], [0], [1], [0, 0, 1, 1], [], []>, transpose_lhs_hint = false} : vector<256x256xf32>, vector<256x128xf32>, vector<256x128xf32> -> vector<256x128xf32>
    %add3A_87 = vector.broadcast %add3A_83 : vector<1x128xf32> to vector<256x128xf32>
    %add3A_88 = arith.addf %dot_general3A_86, %add3A_87 : vector<256x128xf32>
    %reduce_sum3A_89 = arith.constant dense<0.000000e+00> : vector<128xf32>
    %reduce_sum3A_90 = vector.multi_reduction <add>, %slice3A_84, %reduce_sum3A_89 [0] : vector<256x128xf32> to vector<128xf32>
    %broadcast_in_dim3A_91 = vector.shape_cast %reduce_sum3A_90 : vector<128xf32> to vector<1x128xf32>
    %add3A_92 = arith.addf %add3A_83, %broadcast_in_dim3A_91 : vector<1x128xf32>
    %slice3A_93 = vector.extract_strided_slice %mul3A {offsets = [768, 0], sizes = [256, 128], strides = [1, 1]} : vector<2048x128xf32> to vector<256x128xf32>
    %dot_general3A_94 = arith.constant dense<0.000000e+00> : vector<256x128xf32>
    %dot_general3A_95 = tpu.matmul %convert_element_type3A_64, %slice3A_93, %dot_general3A_94 {dimension_numbers = #tpu.dot_dimension_numbers<[1], [0], [0], [1], [0, 0, 1, 1], [], []>, transpose_lhs_hint = false} : vector<256x256xf32>, vector<256x128xf32>, vector<256x128xf32> -> vector<256x128xf32>
    %add3A_96 = vector.broadcast %add3A_92 : vector<1x128xf32> to vector<256x128xf32>
    %add3A_97 = arith.addf %dot_general3A_95, %add3A_96 : vector<256x128xf32>
    %reduce_sum3A_98 = arith.constant dense<0.000000e+00> : vector<128xf32>
    %reduce_sum3A_99 = vector.multi_reduction <add>, %slice3A_93, %reduce_sum3A_98 [0] : vector<256x128xf32> to vector<128xf32>
    %broadcast_in_dim3A_100 = vector.shape_cast %reduce_sum3A_99 : vector<128xf32> to vector<1x128xf32>
    %add3A_101 = arith.addf %add3A_92, %broadcast_in_dim3A_100 : vector<1x128xf32>
    %slice3A_102 = vector.extract_strided_slice %mul3A {offsets = [1024, 0], sizes = [256, 128], strides = [1, 1]} : vector<2048x128xf32> to vector<256x128xf32>
    %dot_general3A_103 = arith.constant dense<0.000000e+00> : vector<256x128xf32>
    %dot_general3A_104 = tpu.matmul %convert_element_type3A_64, %slice3A_102, %dot_general3A_103 {dimension_numbers = #tpu.dot_dimension_numbers<[1], [0], [0], [1], [0, 0, 1, 1], [], []>, transpose_lhs_hint = false} : vector<256x256xf32>, vector<256x128xf32>, vector<256x128xf32> -> vector<256x128xf32>
    %add3A_105 = vector.broadcast %add3A_101 : vector<1x128xf32> to vector<256x128xf32>
    %add3A_106 = arith.addf %dot_general3A_104, %add3A_105 : vector<256x128xf32>
    %reduce_sum3A_107 = arith.constant dense<0.000000e+00> : vector<128xf32>
    %reduce_sum3A_108 = vector.multi_reduction <add>, %slice3A_102, %reduce_sum3A_107 [0] : vector<256x128xf32> to vector<128xf32>
    %broadcast_in_dim3A_109 = vector.shape_cast %reduce_sum3A_108 : vector<128xf32> to vector<1x128xf32>
    %add3A_110 = arith.addf %add3A_101, %broadcast_in_dim3A_109 : vector<1x128xf32>
    %slice3A_111 = vector.extract_strided_slice %mul3A {offsets = [1280, 0], sizes = [256, 128], strides = [1, 1]} : vector<2048x128xf32> to vector<256x128xf32>
    %dot_general3A_112 = arith.constant dense<0.000000e+00> : vector<256x128xf32>
    %dot_general3A_113 = tpu.matmul %convert_element_type3A_64, %slice3A_111, %dot_general3A_112 {dimension_numbers = #tpu.dot_dimension_numbers<[1], [0], [0], [1], [0, 0, 1, 1], [], []>, transpose_lhs_hint = false} : vector<256x256xf32>, vector<256x128xf32>, vector<256x128xf32> -> vector<256x128xf32>
    %add3A_114 = vector.broadcast %add3A_110 : vector<1x128xf32> to vector<256x128xf32>
    %add3A_115 = arith.addf %dot_general3A_113, %add3A_114 : vector<256x128xf32>
    %reduce_sum3A_116 = arith.constant dense<0.000000e+00> : vector<128xf32>
    %reduce_sum3A_117 = vector.multi_reduction <add>, %slice3A_111, %reduce_sum3A_116 [0] : vector<256x128xf32> to vector<128xf32>
    %broadcast_in_dim3A_118 = vector.shape_cast %reduce_sum3A_117 : vector<128xf32> to vector<1x128xf32>
    %add3A_119 = arith.addf %add3A_110, %broadcast_in_dim3A_118 : vector<1x128xf32>
    %slice3A_120 = vector.extract_strided_slice %mul3A {offsets = [1536, 0], sizes = [256, 128], strides = [1, 1]} : vector<2048x128xf32> to vector<256x128xf32>
    %dot_general3A_121 = arith.constant dense<0.000000e+00> : vector<256x128xf32>
    %dot_general3A_122 = tpu.matmul %convert_element_type3A_64, %slice3A_120, %dot_general3A_121 {dimension_numbers = #tpu.dot_dimension_numbers<[1], [0], [0], [1], [0, 0, 1, 1], [], []>, transpose_lhs_hint = false} : vector<256x256xf32>, vector<256x128xf32>, vector<256x128xf32> -> vector<256x128xf32>
    %add3A_123 = vector.broadcast %add3A_119 : vector<1x128xf32> to vector<256x128xf32>
    %add3A_124 = arith.addf %dot_general3A_122, %add3A_123 : vector<256x128xf32>
    %reduce_sum3A_125 = arith.constant dense<0.000000e+00> : vector<128xf32>
    %reduce_sum3A_126 = vector.multi_reduction <add>, %slice3A_120, %reduce_sum3A_125 [0] : vector<256x128xf32> to vector<128xf32>
    %broadcast_in_dim3A_127 = vector.shape_cast %reduce_sum3A_126 : vector<128xf32> to vector<1x128xf32>
    %add3A_128 = arith.addf %add3A_119, %broadcast_in_dim3A_127 : vector<1x128xf32>
    %slice3A_129 = vector.extract_strided_slice %mul3A {offsets = [1792, 0], sizes = [256, 128], strides = [1, 1]} : vector<2048x128xf32> to vector<256x128xf32>
    %dot_general3A_130 = arith.constant dense<0.000000e+00> : vector<256x128xf32>
    %dot_general3A_131 = tpu.matmul %convert_element_type3A_64, %slice3A_129, %dot_general3A_130 {dimension_numbers = #tpu.dot_dimension_numbers<[1], [0], [0], [1], [0, 0, 1, 1], [], []>, transpose_lhs_hint = false} : vector<256x256xf32>, vector<256x128xf32>, vector<256x128xf32> -> vector<256x128xf32>
    %add3A_132 = vector.broadcast %add3A_128 : vector<1x128xf32> to vector<256x128xf32>
    %add3A_133 = arith.addf %dot_general3A_131, %add3A_132 : vector<256x128xf32>
    %concatenate3A = tpu.concatenate %add3A_70, %add3A_79, %add3A_88, %add3A_97, %add3A_106, %add3A_115, %add3A_124, %add3A_133 in 0 : vector<256x128xf32>, vector<256x128xf32>, vector<256x128xf32>, vector<256x128xf32>, vector<256x128xf32>, vector<256x128xf32>, vector<256x128xf32>, vector<256x128xf32> -> vector<2048x128xf32>
    %add3A_134 = vector.broadcast %dot_general3A_59 : vector<1x128xf32> to vector<2048x128xf32>
    %add3A_135 = arith.addf %concatenate3A, %add3A_134 : vector<2048x128xf32>
    %mul3A_136 = arith.mulf %mul3A, %add3A_135 : vector<2048x128xf32>
    %reduce_sum3A_137 = arith.constant dense<0.000000e+00> : vector<2048xf32>
    %reduce_sum3A_138 = vector.multi_reduction <add>, %mul3A_136, %reduce_sum3A_137 [1] : vector<2048x128xf32> to vector<2048xf32>
    %broadcast_in_dim3A_139 = vector.shape_cast %reduce_sum3A_138 : vector<2048xf32> to vector<2048x1xf32>
    %convert_element_type3A_140 = arith.fptosi %broadcast_in_dim3A_139 : vector<2048x1xf32> to vector<2048x1xi32>
    %swap3A_141 = arith.constant 0 : index
    %swap3A_142 = arith.constant 0 : index
    %swap3A_143 = vector.load %arg1[%swap3A_141, %swap3A_142] : memref<2048x1xi32, #tpu.memory_space<vmem>>, vector<2048x1xi32>
    tpu.vector_store %arg1[%swap3A_141, %swap3A_142], %convert_element_type3A_140 {strides = array<i32>} : memref<2048x1xi32, #tpu.memory_space<vmem>>, vector<2048x1xi32>,
    %slice3A_144 = vector.extract_strided_slice %dot_general3A_59 {offsets = [0, 0], sizes = [1, 16], strides = [1, 1]} : vector<1x128xf32> to vector<1x16xf32>
    %convert_element_type3A_145 = arith.fptosi %slice3A_144 : vector<1x16xf32> to vector<1x16xi32>
    %swap3A_146 = arith.constant 0 : index
    %swap3A_147 = arith.constant 0 : index
    %swap3A_148 = vector.load %arg3[%swap3A_146, %swap3A_147] : memref<1x16xi32, #tpu.memory_space<vmem>>, vector<1x16xi32>
    tpu.vector_store %arg3[%swap3A_146, %swap3A_147], %convert_element_type3A_145 {strides = array<i32>} : memref<1x16xi32, #tpu.memory_space<vmem>>, vector<1x16xi32>,
    return
  }
}

module attributes {stable_mosaic.version = 14 : i64} {
  func.func @_ffn_body(%arg0: i32, %arg1: i32, %arg2: memref<25xi32, #tpu.memory_space<smem>>, %arg3: memref<3072x1024xf32, #tpu.memory_space<vmem>>, %arg4: memref<3072x128xf32, #tpu.memory_space<vmem>>, %arg5: memref<1x1024x1024xf32, #tpu.memory_space<vmem>>, %arg6: memref<1x1024x1024xf32, #tpu.memory_space<vmem>>, %arg7: memref<3072x1024xf32, #tpu.memory_space<vmem>>) attributes {dimension_semantics = [#tpu.dimension_semantics<arbitrary>, #tpu.dimension_semantics<arbitrary>], iteration_bounds = array<i64: 4, 24>, scalar_prefetch = 1 : i64, scratch_operands = 0 : i64, tpu.core_type = #tpu.core_type<tc>, window_params = [{pipeline_mode = #tpu.pipeline_mode<synchronous>, transform_indices = @transform_0, window_bounds = array<i64: 3072, 1024>}, {pipeline_mode = #tpu.pipeline_mode<synchronous>, transform_indices = @transform_1, window_bounds = array<i64: 3072, 128>}, {transform_indices = @transform_2, window_bounds = array<i64: 1, 1024, 1024>}, {transform_indices = @transform_3, window_bounds = array<i64: 1, 1024, 1024>}, {pipeline_mode = #tpu.pipeline_mode<synchronous>, transform_indices = @transform_4, window_bounds = array<i64: 3072, 1024>}]} {
    %get3A = arith.constant 0 : index
    %get3A_0 = memref.load %arg2[%get3A] : memref<25xi32, #tpu.memory_space<smem>>
    %lt3A = arith.cmpi slt, %arg1, %get3A_0 : i32
    %convert_element_type3A = arith.extui %lt3A : i1 to i32
    %cond3A = arith.constant 0 : i32
    %cond3A_1 = arith.cmpi ne, %convert_element_type3A, %cond3A : i32
    scf.if %cond3A_1 {
      %mul3A = arith.constant 128 : i32
      %mul3A_2 = arith.muli %arg1, %mul3A : i32
      %multiple_of3A = tpu.assume_multiple %mul3A_2, 128 : i32
      %get3A_3 = arith.index_cast %multiple_of3A : i32 to index
      %get3A_4 = arith.constant 0 : index
      %get3A_5 = vector.load %arg3[%get3A_3, %get3A_4] : memref<3072x1024xf32, #tpu.memory_space<vmem>>, vector<128x1024xf32>
      %get3A_6 = arith.index_cast %multiple_of3A : i32 to index
      %get3A_7 = arith.constant 0 : index
      %get3A_8 = vector.load %arg4[%get3A_6, %get3A_7] : memref<3072x128xf32, #tpu.memory_space<vmem>>, vector<128x1xf32>
      %get3A_9 = arith.constant 0 : index
      %get3A_10 = arith.constant 0 : index
      %get3A_11 = arith.constant 0 : index
      %get3A_12 = vector.load %arg5[%get3A_9, %get3A_10, %get3A_11] : memref<1x1024x1024xf32, #tpu.memory_space<vmem>>, vector<1x1024x1024xf32>
      %get3A_13 = vector.shape_cast %get3A_12 : vector<1x1024x1024xf32> to vector<1024x1024xf32>
      %dot_general3A = arith.constant dense<0.000000e+00> : vector<128x1024xf32>
      %dot_general3A_14 = tpu.matmul %get3A_5, %get3A_13, %dot_general3A {dimension_numbers = #tpu.dot_dimension_numbers<[1], [0], [0], [1], [0, 0, 1, 1], [], []>, transpose_lhs_hint = false} : vector<128x1024xf32>, vector<1024x1024xf32>, vector<128x1024xf32> -> vector<128x1024xf32>
      %max3A = arith.constant 0.000000e+00 : f32
      %max3A_15 = vector.broadcast %max3A : f32 to vector<128x1024xf32>
      %max3A_16 = arith.maximumf %dot_general3A_14, %max3A_15 : vector<128x1024xf32>
      %get3A_17 = arith.constant 0 : index
      %get3A_18 = arith.constant 0 : index
      %get3A_19 = arith.constant 0 : index
      %get3A_20 = vector.load %arg6[%get3A_17, %get3A_18, %get3A_19] : memref<1x1024x1024xf32, #tpu.memory_space<vmem>>, vector<1x1024x1024xf32>
      %get3A_21 = vector.shape_cast %get3A_20 : vector<1x1024x1024xf32> to vector<1024x1024xf32>
      %dot_general3A_22 = arith.constant dense<0.000000e+00> : vector<128x1024xf32>
      %dot_general3A_23 = tpu.matmul %max3A_16, %get3A_21, %dot_general3A_22 {dimension_numbers = #tpu.dot_dimension_numbers<[1], [0], [0], [1], [0, 0, 1, 1], [], []>, transpose_lhs_hint = false} : vector<128x1024xf32>, vector<1024x1024xf32>, vector<128x1024xf32> -> vector<128x1024xf32>
      %eq3A = arith.constant 0 : i32
      %eq3A_24 = arith.cmpi eq, %arg0, %eq3A : i32
      %convert_element_type3A_25 = arith.extui %eq3A_24 : i1 to i32
      %cond3A_26 = arith.constant 0 : i32
      %cond3A_27 = arith.cmpi ne, %convert_element_type3A_25, %cond3A_26 : i32
      scf.if %cond3A_27 {
        %mul3A_32 = vector.broadcast %get3A_8 : vector<128x1xf32> to vector<128x1024xf32>
        %mul3A_33 = arith.mulf %dot_general3A_23, %mul3A_32 : vector<128x1024xf32>
        %swap3A = arith.index_cast %multiple_of3A : i32 to index
        %swap3A_34 = arith.constant 0 : index
        %swap3A_35 = vector.load %arg7[%swap3A, %swap3A_34] : memref<3072x1024xf32, #tpu.memory_space<vmem>>, vector<128x1024xf32>
        tpu.vector_store %arg7[%swap3A, %swap3A_34], %mul3A_33 {strides = array<i32>} : memref<3072x1024xf32, #tpu.memory_space<vmem>>, vector<128x1024xf32>,
      } else {
      }
      %gt3A = arith.constant 0 : i32
      %gt3A_28 = arith.cmpi sgt, %arg0, %gt3A : i32
      %convert_element_type3A_29 = arith.extui %gt3A_28 : i1 to i32
      %cond3A_30 = arith.constant 0 : i32
      %cond3A_31 = arith.cmpi ne, %convert_element_type3A_29, %cond3A_30 : i32
      scf.if %cond3A_31 {
        %get3A_32 = arith.index_cast %multiple_of3A : i32 to index
        %get3A_33 = arith.constant 0 : index
        %get3A_34 = vector.load %arg7[%get3A_32, %get3A_33] : memref<3072x1024xf32, #tpu.memory_space<vmem>>, vector<128x1024xf32>
        %mul3A_35 = vector.broadcast %get3A_8 : vector<128x1xf32> to vector<128x1024xf32>
        %mul3A_36 = arith.mulf %dot_general3A_23, %mul3A_35 : vector<128x1024xf32>
        %add3A = arith.addf %get3A_34, %mul3A_36 : vector<128x1024xf32>
        %swap3A = arith.index_cast %multiple_of3A : i32 to index
        %swap3A_37 = arith.constant 0 : index
        %swap3A_38 = vector.load %arg7[%swap3A, %swap3A_37] : memref<3072x1024xf32, #tpu.memory_space<vmem>>, vector<128x1024xf32>
        tpu.vector_store %arg7[%swap3A, %swap3A_37], %add3A {strides = array<i32>} : memref<3072x1024xf32, #tpu.memory_space<vmem>>, vector<128x1024xf32>,
      } else {
      }
    } else {
    }
    return
  }
  func.func @transform_0(%arg0: i32, %arg1: i32, %arg2: memref<25xi32, #tpu.memory_space<smem>>) -> (i32, i32) {
    %c0_i32 = arith.constant 0 : i32
    %c0_i32_0 = arith.constant 0 : i32
    %c0_i32_1 = arith.constant 0 : i32
    return %c0_i32, %c0_i32_0 : i32, i32
  }
  func.func @transform_1(%arg0: i32, %arg1: i32, %arg2: memref<25xi32, #tpu.memory_space<smem>>) -> (i32, i32) {
    %c0_i32 = arith.constant 0 : i32
    %c0_i32_0 = arith.constant 0 : i32
    %c0_i32_1 = arith.constant 0 : i32
    return %c0_i32, %c0_i32_0 : i32, i32
  }
  func.func @transform_2(%arg0: i32, %arg1: i32, %arg2: memref<25xi32, #tpu.memory_space<smem>>) -> (i32, i32, i32) {
    %add3A = arith.constant 1 : i32
    %add3A_0 = arith.addi %add3A, %arg1 : i32
    %get3A = arith.index_cast %add3A_0 : i32 to index
    %get3A_1 = memref.load %arg2[%get3A] : memref<25xi32, #tpu.memory_space<smem>>
    %c0_i32 = arith.constant 0 : i32
    %c0_i32_2 = arith.constant 0 : i32
    return %get3A_1, %c0_i32, %arg0 : i32, i32, i32
  }
  func.func @transform_3(%arg0: i32, %arg1: i32, %arg2: memref<25xi32, #tpu.memory_space<smem>>) -> (i32, i32, i32) {
    %add3A = arith.constant 1 : i32
    %add3A_0 = arith.addi %add3A, %arg1 : i32
    %get3A = arith.index_cast %add3A_0 : i32 to index
    %get3A_1 = memref.load %arg2[%get3A] : memref<25xi32, #tpu.memory_space<smem>>
    %c0_i32 = arith.constant 0 : i32
    %c0_i32_2 = arith.constant 0 : i32
    return %get3A_1, %arg0, %c0_i32 : i32, i32, i32
  }
  func.func @transform_4(%arg0: i32, %arg1: i32, %arg2: memref<25xi32, #tpu.memory_space<smem>>) -> (i32, i32) {
    %c0_i32 = arith.constant 0 : i32
    %c0_i32_0 = arith.constant 0 : i32
    %c0_i32_1 = arith.constant 0 : i32
    return %c0_i32, %c0_i32_0 : i32, i32
  }
}

</mosaic_0001>

<sc_bundles>
// kernel: kernel.6.cloned.1.call-start
scs
__scs_entry_jumppad:
0x0: {  	(pc) =	sbr.rel $0x88, $3  }
0x1: {  	(tag) =	ssettag $0x0;
	lr =	simm.s32 $0x1  }
0x2: {  	[smem:$0x3F9D] =	sst lr;
	_ =	strace $0xD0000000  }
0x3: {  	_ = 	snop  }
0x4: {  	_ = 	snop  }
0x5: {  	_ = 	snop  }
0x6: {  	_ = 	snop  }
0x7: {  	_ = 	snop  }
__scs_overlays_trampoline_lowered:
0x8: {  	[smem:$0x3FAC] =	sst s0  }
0x9: {  	[smem:$0x3FAD] =	sst s1  }
0xa: {  	[smem:$0x3FAE] =	sst s2  }
0xb: {  	[smem:$0x3FAF] =	sst s3  }
0xc: {  	[smem:$0x3FB0] =	sst s4  }
0xd: {  	[smem:$0x3FB1] =	sst s5  }
0xe: {  	[smem:$0x3FB2] =	sst s6  }
0xf: {  	[smem:$0x3FB3] =	sst s7  }
0x10: {  	[smem:$0x3FB4] =	sst s8  }
0x11: {  	[smem:$0x3FB5] =	sst s9;
	s0 =	simm.s32 @!p0 $0x0  }
0x12: {  	s1 =	sld [smem:$0x3F9B];
	s0 =	simm.s32 @p0 $0x1  }
0x13: {  	[smem:$0x3FB6] =	sst s0;
	s0 =	simm.s32 @!p1 $0x0  }
0x14: {  	s2 =	sld [smem:$0x3F9A];
	s0 =	simm.s32 @p1 $0x1  }
0x15: {  	[smem:$0x3FB7] =	sst s0;
	s0 =	simm.s32 @!p2 $0x0  }
0x16: {  	s3 =	sld [smem:$0x3FDB];
	s0 =	simm.s32 @p2 $0x1  }
0x17: {  	s4 =	simm.s32 $0x1BF5;
	[smem:$0x3FB9] =	sst s0  }
0x18: {  	s0 =	sld [smem:$0x3F9C];
	_ =	swait.ge [sflag:s4], $0x0  }
0x19: {  	s7 =	sld [smem:$0x3F9D]  }
0x1a: {  	s8 =	sadd.s32 $0xFFFFE003, lr  }
0x1b: {  	s9 =	sadd.s32 $0xFFFFFEF7, lr;
	s5 =	simm.s32 $0xFFFFFFFF;
	p2 =	slt.u32 s8, $0xFFFFF086  }
0x1c: {  	p1 =	slt.u32 s9, $0xF7A;
	s5 =	simm.s32 @!p2 $0x0  }
0x1d: {  	s5 =	simm.s32 @p1 $0x1;
	p0 =	seq.s32 s7, s2  }
0x1e: {  	s7 =	smul.u32 @!p0 $0xF7A, s2;
	p2 =	seq.s32 @!p0 s5, $0x0  }
0x1f: {  	s9 =	smul.u32 $0xF7A, s1;
	s8 =	simm.s32 @!p0 $0x1BF5;
	p2 =	por !p2, p0  }
0x20: {  	[sflag:s8] =	ssyncset.s32 @!p0 $0xFFFFF086;
	s6 =	sadd.s32 @!p0 s3, s7;
	s7 =	simm.s32 @!p0 $0x108  }
0x21: {  	s3 =	sadd.s32 s3, s9;
	s6 =	sadd.s32 @!p0 $0x88, s6;
	s7 =	simm.s32 @p2 $0x1082  }
0x22: {  	[simem:s7], [sflag:s8] =	dma.local @!p0 [hbm:s6], $0xF7A  }
0x23: {  	s9 =	sor.u32 $0xD0000000, s2;
	s6 =	simm.s32 $0x108;
	_ =	swait.ge @!p0 [sflag:s8], $0x0  }
0x24: {  	s3 =	sadd.s32 $0x88, s3;
	s6 =	simm.s32 @!p1 $0x1082;
	[sflag:s4] =	ssyncset.s32 $0xFFFFF086  }
0x25: {  	[simem:s6], [sflag:s4] =	dma.local [hbm:s3], $0xF7A  }
0x26: {  	[smem:$0x3F9D] =	sst s1;
	(tag) =	ssettag s2;
	_ =	strace s9  }
0x27: {  	s1 =	sld [smem:$0x3FAD]  }
0x28: {  	s2 =	sld [smem:$0x3FAE]  }
0x29: {  	s4 =	sld [smem:$0x3FB0]  }
0x2a: {  	p0 =	seq.s32 s5, $0x0;
	s5 =	sld [smem:$0x3FB1]  }
0x2b: {  	s6 =	sld [smem:$0x3FB2]  }
0x2c: {  	s7 =	sld [smem:$0x3FB3]  }
0x2d: {  	s3 =	simm.s32 $0x108;
	s8 =	sld [smem:$0x3FB4]  }
0x2e: {  	s3 =	simm.s32 @!p0 $0x1082;
	s9 =	sld [smem:$0x3FB5]  }
0x2f: {  	lr =	sadd.s32 s0, s3;
	s0 =	sld [smem:$0x3FAC]  }
0x30: {  	s3 =	sld [smem:$0x3FAF]  }
0x31: {  	[smem:$0x3FB8] =	sst s10  }
0x32: {  	s10 =	sld [smem:$0x3FB6];
	_ =	sdelay $0x3  }
0x33: {  	p0 =	seq.s32 s10, $0x1;
	s10 =	sld [smem:$0x3FB8];
	_ =	sdelay $0x3  }
0x34: {  	[smem:$0x3FB8] =	sst s10  }
0x35: {  	s10 =	sld [smem:$0x3FB7];
	_ =	sdelay $0x3  }
0x36: {  	p1 =	seq.s32 s10, $0x1;
	s10 =	sld [smem:$0x3FB8];
	_ =	sdelay $0x3  }
0x37: {  	[smem:$0x3FB8] =	sst s10  }
0x38: {  	s10 =	sld [smem:$0x3FB9]  }
0x39: {  	_ = 	snop;
	(pc) =	sbr.ind lr, $3  }
0x3a: {  	_ = 	snop  }
0x3b: {  	_ = 	snop  }
0x3c: {  	p2 =	seq.s32 s10, $0x1;
	s10 =	sld [smem:$0x3FB8]  }
0x3d: {  	_ =	shalt  }
0x3e: {  	_ =	shalt  }
0x3f: {  	_ =	shalt  }
0x40: {  	_ =	shalt  }
0x41: {  	_ =	shalt  }
0x42: {  	_ =	shalt  }
0x43: {  	_ =	shalt  }
0x44: {  	_ =	shalt  }
0x45: {  	_ =	shalt  }
0x46: {  	_ =	shalt  }
0x47: {  	_ =	shalt  }
0x48: {  	_ =	shalt  }
0x49: {  	_ =	shalt  }
0x4a: {  	_ =	shalt  }
0x4b: {  	_ =	shalt  }
0x4c: {  	_ =	shalt  }
0x4d: {  	_ =	shalt  }
0x4e: {  	_ =	shalt  }
0x4f: {  	_ =	shalt  }
0x50: {  	_ =	shalt  }
0x51: {  	_ =	shalt  }
0x52: {  	_ =	shalt  }
0x53: {  	_ =	shalt  }
0x54: {  	_ =	shalt  }
0x55: {  	_ =	shalt  }
0x56: {  	_ =	shalt  }
0x57: {  	_ =	shalt  }
0x58: {  	_ =	shalt  }
0x59: {  	_ =	shalt  }
0x5a: {  	_ =	shalt  }
0x5b: {  	_ =	shalt  }
0x5c: {  	_ =	shalt  }
0x5d: {  	_ =	shalt  }
0x5e: {  	_ =	shalt  }
0x5f: {  	_ =	shalt  }
0x60: {  	_ =	shalt  }
0x61: {  	_ =	shalt  }
0x62: {  	_ =	shalt  }
0x63: {  	_ =	shalt  }
0x64: {  	_ =	shalt  }
0x65: {  	_ =	shalt  }
0x66: {  	_ =	shalt  }
0x67: {  	_ =	shalt  }
0x68: {  	_ =	shalt  }
0x69: {  	_ =	shalt  }
0x6a: {  	_ =	shalt  }
0x6b: {  	_ =	shalt  }
0x6c: {  	_ =	shalt  }
0x6d: {  	_ =	shalt  }
0x6e: {  	_ =	shalt  }
0x6f: {  	_ =	shalt  }
0x70: {  	_ =	shalt  }
0x71: {  	_ =	shalt  }
0x72: {  	_ =	shalt  }
0x73: {  	_ =	shalt  }
0x74: {  	_ =	shalt  }
0x75: {  	_ =	shalt  }
0x76: {  	_ =	shalt  }
0x77: {  	_ =	shalt  }
0x78: {  	_ =	shalt  }
0x79: {  	_ =	shalt  }
0x7a: {  	_ =	shalt  }
0x7b: {  	_ =	shalt  }
0x7c: {  	_ =	shalt  }
0x7d: {  	_ =	shalt  }
0x7e: {  	_ =	shalt  }
0x7f: {  	_ =	shalt  }
0x80: {  	_ =	shalt  }
0x81: {  	_ =	shalt  }
0x82: {  	_ =	shalt  }
0x83: {  	_ =	shalt  }
0x84: {  	_ =	shalt  }
0x85: {  	_ =	shalt  }
0x86: {  	_ =	shalt  }
0x87: {  	_ =	shalt  }
.Lfunc_end0:
.L_simem_size_0:
called_computation_lowered:
.L_overlay_start_0:
0x88: {  	s2 =	sld [smem:$0x3FD9]  }
0x89: {  	s3 =	sld [smem:$0x3FFE];
	_ =	sdelay $0x1  }
0x8a: {  	s1 =	srdreg.scid  }
0x8b: {  	s0 =	sand.u32 $0x1, s1  }
0x8c: {  	s14 =	sshll.u32 s0, $0xA;
	s2 =	sadd.s32 s3, s2  }
0x8d: {  	s2 =	sadd.s32 s2, s14  }
0x8e: {  	[smem:$0x3FC4] =	sst s2  }
0x8f: {  	_ = 	snop  }
0x90: {  	s2 =	sld [smem:$0x3FD0];
	_ =	sdelay $0x2  }
0x91: {  	s4 =	simm.s32 $0xA;
	s5 =	simm.s32 $0x10;
	s15 =	sld [smem:$0x3FC9]  }
0x92: {  	[smem:s5], [sflag:s4] =	dma.local [hbm:s2], $0x1  }
0x93: {  	_ =	swait.eq [sflag:s4], $0x1  }
0x94: {  	[sflag:s4] =	ssyncset.done $0x0  }
0x95: {  	[sflag:s4] =	ssyncadd.s32 $0xFFFFFFFF  }
0x96: {  	s16 =	sld [smem:$0x10];
	(tm) =	ssettm $0x1  }
0x97: {  	s17 =	sld [smem:$0x3FFB];
	_ =	sdelay $0x3  }
0x98: {  	_ =	strace s17  }
0x99: {  	s4 =	sld [smem:$0x3FFC];
	_ =	sdelay $0x3  }
0x9a: {  	_ =	strace s4  }
0x9b: {  	s4 =	sld [smem:$0x3FFD];
	_ =	sdelay $0x3  }
0x9c: {  	_ =	strace s4  }
0x9d: {  	_ =	strace $0x8FFFFFFF  }
0x9e: {  	s18 =	sld [smem:$0x3FDB];
	_ =	sdelay $0x1  }
0x9f: {  	s19 =	simm.s32 $_scs_section_size  }
0xa0: {  	s6 =	simm.s32 $_size__tile_overlayer_lowered;
	s7 =	simm.s32 $_tile_overlayer_lowered  }
0xa1: {  	s22 =	simm.s32 $0x1BFF;
	s21 =	sshll.u32 s7, $0x1;
	s4 =	sadd.s32 s19, s18  }
0xa2: {  	s8 =	simm.s32 $0x0;
	s20 =	sshll.u32 s6, $0x1;
	s6 =	sadd.s32 s21, s4  }
0xa3: {  	[timem:s8], [sflag:s22] =	dma.local [hbm:s6], s20  }
0xa4: {  	_ =	swait.ge [sflag:s22], s20  }
0xa5: {  	s5 =	ssub.s32 $0x0, s20;
	[sflag:s22] =	ssyncset.done $0x0  }
0xa6: {  	[sflag:s22] =	ssyncadd.s32 s5;
	_ =	sdelay $0x1  }
0xa7: {  	s23 =	simm.s32 $0x1B8B  }
0xa8: {  	_ =	swait.ge [sflag:s23], $0x1  }
0xa9: {  	[sflag:s23] =	ssyncset.done $0x0  }
0xaa: {  	s25 =	simm.s32 $0x1B8E;
	s24 =	sld [smem:$0x3FFE];
	[sflag:s23] =	ssyncadd.s32 $0xFFFFFFFF  }
0xab: {  	s26 =	simm.s32 $execute0_lowered;
	[smem:$0x3FD2] =	sst s25  }
0xac: {  	s6 =	sshll.u32 s26, $0x1;
	_ =	strace $0x80000046;
	[dreg:$0x1] =	wrdreg $0xFFFFFFFF  }
0xad: {  	s28 =	simm.s32 $_size_execute0_lowered;
	s4 =	sadd.s32 s4, s6;
	[dreg:$0x0] =	wrdreg $0x0  }
0xae: {  	s6 =	sshll.u32 s28, $0x1;
	[dreg:$0x2] =	wrdreg s4  }
0xaf: {  	[dreg:$0x3] =	wrdreg s6  }
0xb0: {  	[dreg:$0x4] =	wrdreg $0xC0  }
0xb1: {  	_ =	task [dreg:s8], $0x5FFFF  }
0xb2: {  	[dreg:$0x1] =	wrdreg $0xFFFFFFFF  }
0xb3: {  	[dreg:$0x0] =	wrdreg $0x60  }
0xb4: {  	[dreg:$0x2] =	wrdreg s15  }
0xb5: {  	[dreg:$0x3] =	wrdreg s24  }
0xb6: {  	[dreg:$0x4] =	wrdreg s16  }
0xb7: {  	[dreg:$0x5] =	wrdreg $0x9  }
0xb8: {  	_ =	task.clear_ibuf [dreg:s8], $0x6FFFF;
	_ =	strace $0x90000046  }
0xb9: {  	s29 =	simm.s32 $0x9;
	_ =	strace $0x80000048  }
0xba: {  	_ =	swait.ge [sflag:s29], $0x1  }
0xbb: {  	[sflag:s29] =	ssyncadd.s32 $0xFFFFFFFF  }
0xbc: {  	_ =	strace $0x90000048  }
0xbd: {  	_ =	sfence  }
0xbe: {  	s30 =	sld [smem:$0x0];
	_ =	sdelay $0x2  }
0xbf: {  	s31 =	sshll.u32 s1, $0xD;
	s1 =	sshrl.u32 s1, $0x2  }
0xc0: {  	s3 =	sand.u32 $0x4000, s31;
	s1 =	sadd.s32 s1, s30  }
0xc1: {  	s0 =	sor.u32 s3, s0;
	s1 =	sshll.u32 s1, $0x11  }
0xc2: {  	s0 =	sor.u32 s1, s0  }
0xc3: {  	s0 =	sadd.s32 $0x8F2B, s0  }
0xc4: {  	[sflag:s0] =	ssyncadd.remote.s32 $0x1  }
0xc5: {  	_ =	sfence.sel $0xFFFF  }
0xc6: {  	[dreg:$0x0] =	wrdreg $0xFFFFFFFF;
	(pc) =	sbr.abs _section_cstart, $3  }
0xc7: {  	[dreg:$0x1] =	wrdreg $0xFFFFFFFF  }
0xc8: {  	_ =	task.clear_ibuf [dreg:s8], $0x2FFFF;
	_ =	strace $0x9FFFFFFF  }
0xc9: {  	(tm) =	ssettm $0x7FFFFFFF  }
tec
execute0_lowered:
.L_overlay_start_1:
0x0: {  	(tag) =	ssettag $0x1  }
0x1: {  	s1 =	rddreg [dreg:$0x0]  }
0x2: {  	s6 =	rddreg [dreg:$0x1]  }
0x3: {  	s2 =	srdreg.scid;
	s3 =	rddreg [dreg:$0x2]  }
0x4: {  	s4 =	sand.u32 $0x1, s2;
	[dreg:$0x4] =	wrdreg s3;
	s2 =	simm.s32 $0x0  }
0x5: {  	s12 =	simm.s32 $0x880;
	[smem:$0x7FF] =	sst s2  }
0x6: {  	s13 =	simm.s32 $0x1080;
	_ =	strace $0x80000047;
	[dreg:$0x8] =	wrdreg s12  }
0x7: {  	s0 =	stileid.u32;
	s14 =	simm.s32 $0x1880;
	[dreg:$0x9] =	wrdreg s13  }
0x8: {  	s15 =	simm.s32 $0x2080;
	s16 =	simm.s32 $0x2880;
	[dreg:$0xa] =	wrdreg s14  }
0x9: {  	s17 =	simm.s32 $0x3080;
	s19 =	simm.s32 $0x3880;
	[dreg:$0xb] =	wrdreg s15  }
0xa: {  	s21 =	simm.s32 $0x4080;
	s22 =	simm.s32 $0x4880;
	[dreg:$0xc] =	wrdreg s16  }
0xb: {  	s23 =	simm.s32 $0x5080;
	s24 =	simm.s32 $0x5880;
	[dreg:$0xd] =	wrdreg s17  }
0xc: {  	s25 =	simm.s32 $0x6080;
	s8 =	simm.s32 $0x3;
	[dreg:$0xe] =	wrdreg s19  }
0xd: {  	s26 =	simm.s32 $0x6880;
	s9 =	simm.s32 $0x80;
	[dreg:$0xf] =	wrdreg s21  }
0xe: {  	s28 =	simm.s32 $0xF080;
	s29 =	simm.s32 $0xF880;
	[dreg:$0x10] =	wrdreg s22  }
0xf: {  	s30 =	simm.s32 $0x40;
	s31 =	simm.s32 $0x1;
	[dreg:$0x11] =	wrdreg s23  }
0x10: {  	s10 =	sshll.u32 s0, $0x7;
	s5 =	sshll.u32 s4, $0x6;
	[dreg:$0x12] =	wrdreg s24  }
0x11: {  	s4 =	ssub.s32 $0x2, s4;
	s3 =	sor.u32 s5, s10;
	[dreg:$0x13] =	wrdreg s25  }
0x12: {  	s18 =	sshrl.u32 s4, $0x1;
	s10 =	simm.s32 $0x10080;
	[dreg:$0x14] =	wrdreg s26  }
0x13: {  	s12 =	simm.s32 $0x7880;
	s13 =	simm.s32 $0x8080;
	s14 =	simm.s32 $0x8880  }
0x14: {  	s15 =	simm.s32 $0x9080;
	s16 =	simm.s32 $0x9880;
	s17 =	simm.s32 $0xA080  }
0x15: {  	s19 =	simm.s32 $0xB080;
	s21 =	simm.s32 $0xC080;
	s22 =	simm.s32 $0xC880  }
0x16: {  	s23 =	simm.s32 $0xD080;
	s24 =	simm.s32 $0xD880;
	s25 =	simm.s32 $0xE080  }
0x17: {  	s26 =	simm.s32 $0xE880;
	s5 =	sshrl.u32 s3, $0x3;
	s7 =	sshll.u32 s3, $0x4  }
0x18: {  	s3 =	sshll.u32 s3, $0x7;
	s20 =	ssub.s32 s4, s18;
	s4 =	sadd.s32 $0x8500, s6  }
0x19: {  	s18 =	simm.s32 $0xA880;
	s5 =	sadd.s32 s5, s6;
	s7 =	sadd.s32 s7, s6  }
0x1a: {  	s1 =	sadd.s32 s1, s3;
	s3 =	sadd.s32 $0x8400, s6;
	s5 =	sadd.s32 $0x8200, s5  }
0x1b: {  	v2 =	vlaneseq.u32;
	[dreg:$0x6] =	wrdreg s1;
	s11 =	sadd.s32 $0x200, s7;
	s7 =	smax.u32 s20, $0x1  }
0x1c: {  	vm0 =	vmmov $0xffff;
	v1 =	vshrl.u32 v2, $0x3;
	s20 =	simm.s32 $0xB880;
	s1 =	simm.s32 $0x2;
	[dreg:$0x5] =	wrdreg s5  }
0x1d: {  	v0 =	vand.u32 $0x7, v2;
	v2 =	vor.u32 $0x8, v2;
	v1 =	vmul.u32 $0x8, v1;
	[dreg:$0x7] =	wrdreg s11;
	s5 =	sadd.s32 $0x8600, s6;
	s6 =	sadd.s32 $0x8700, s6  }
.LBB2_1:
0x1e: {  	s0 =	rddreg [dreg:$0x5]  }
0x1f: {  	[tilespmem:s2], [sflag:$0x3] =	stream.linear.gather [hbm4b:s0+s2], $0x40, $0x38;
	[tilespmem:$0x12080] =	vst v63  }
0x20: {  	_ =	swait.ge [sflag:s8], $0x40  }
0x21: {  	[sflag:s8] =	ssyncset.done $0x0  }
0x22: {  	s11 =	rddreg [dreg:$0x6];
	[sflag:s8] =	ssyncadd.s32 $0xFFFFFFC0  }
0x23: {  	[tilespmem:s9], [sflag:$0x3] =	stream.linear.gather [hbm4b:s11+s2], $0x10000, $0x38;
	[tilespmem:$0x12080] =	vst v63  }
0x24: {  	_ =	swait.ge [sflag:s8], $0x10000  }
0x25: {  	[sflag:s8] =	ssyncset.done $0x0  }
0x26: {  	s11 =	rddreg [dreg:$0x7];
	[sflag:s8] =	ssyncadd.s32 $0xFFFF0000  }
0x27: {  	[tilespmem:s10], [sflag:$0x3] =	stream.linear.gather [hbm4b:s11+s2], $0x2000, $0x38;
	[tilespmem:$0x12080] =	vst v63  }
0x28: {  	_ =	swait.ge [sflag:s8], $0x2000  }
0x29: {  	[sflag:s8] =	ssyncset.done $0x0  }
0x2a: {  	[sflag:s8] =	ssyncadd.s32 $0xFFFFE000  }
0x2b: {  	v3 =	vld [tilespmem:$0x0];
	_ =	sdelay $0x4  }
0x2c: {  	v4 =	vshll.u32 v3, $0x3  }
0x2d: {  	v3 =	vand.u32 $0x7, v3;
	v4 =	vand.u32 $0xFFFFFFC0, v4  }
0x2e: {  	v3 =	vor.u32 v3, v4  }
0x2f: {  	v4 =	vperm.xlane v3, v0;
	_ =	sdelay $0x1  }
0x30: {  	v4 =	vadd.s32 v1, v4;
	_ =	sdelay $0x4  }
0x31: {  	[hbm4b:s3+s2] =	stream.indirect_vreg.scatter [tilespmem:s9], [sflag:$0x1], $0x80, v4, vm0, $0xb8;
	[tilespmem:$0x12080] =	vst v63  }
0x32: {  	s0 =	rddreg [dreg:$0x8];
	v3 =	vperm.xlane v3, v2  }
0x33: {  	[hbm4b:s4+s2] =	stream.indirect_vreg.scatter [tilespmem:s0], [sflag:$0x1], $0x80, v4, vm0, $0xb8;
	[tilespmem:$0x12080] =	vst v63  }
0x34: {  	s11 =	rddreg [dreg:$0x9];
	v3 =	vadd.s32 v1, v3  }
0x35: {  	[hbm4b:s5+s2] =	stream.indirect_vreg.scatter [tilespmem:s11], [sflag:$0x1], $0x80, v4, vm0, $0xb8;
	[tilespmem:$0x12080] =	vst v63  }
0x36: {  	s0 =	rddreg [dreg:$0xa]  }
0x37: {  	[hbm4b:s6+s2] =	stream.indirect_vreg.scatter [tilespmem:s0], [sflag:$0x1], $0x80, v4, vm0, $0xb8;
	[tilespmem:$0x12080] =	vst v63  }
0x38: {  	s11 =	rddreg [dreg:$0xb]  }
0x39: {  	[hbm4b:s3+s2] =	stream.indirect_vreg.scatter [tilespmem:s11], [sflag:$0x1], $0x80, v3, vm0, $0xb8;
	[tilespmem:$0x12080] =	vst v63  }
0x3a: {  	s0 =	rddreg [dreg:$0xc]  }
0x3b: {  	[hbm4b:s4+s2] =	stream.indirect_vreg.scatter [tilespmem:s0], [sflag:$0x1], $0x80, v3, vm0, $0xb8;
	[tilespmem:$0x12080] =	vst v63  }
0x3c: {  	s11 =	rddreg [dreg:$0xd]  }
0x3d: {  	[hbm4b:s5+s2] =	stream.indirect_vreg.scatter [tilespmem:s11], [sflag:$0x1], $0x80, v3, vm0, $0xb8;
	[tilespmem:$0x12080] =	vst v63  }
0x3e: {  	s0 =	rddreg [dreg:$0xe]  }
0x3f: {  	[hbm4b:s6+s2] =	stream.indirect_vreg.scatter [tilespmem:s0], [sflag:$0x1], $0x80, v3, vm0, $0xb8;
	[tilespmem:$0x12080] =	vst v63  }
0x40: {  	v3 =	vld [tilespmem:$0x10];
	_ =	sdelay $0x4  }
0x41: {  	v61 =	vshll.u32 v3, $0x3  }
0x42: {  	v3 =	vand.u32 $0x7, v3;
	v4 =	vand.u32 $0xFFFFFFC0, v61  }
0x43: {  	v3 =	vor.u32 v3, v4  }
0x44: {  	v4 =	vperm.xlane v3, v0;
	_ =	sdelay $0x1  }
0x45: {  	v4 =	vadd.s32 v1, v4;
	_ =	sdelay $0x3  }
0x46: {  	s0 =	rddreg [dreg:$0xf]  }
0x47: {  	[hbm4b:s3+s2] =	stream.indirect_vreg.scatter [tilespmem:s0], [sflag:$0x1], $0x80, v4, vm0, $0xb8;
	[tilespmem:$0x12080] =	vst v63  }
0x48: {  	s11 =	rddreg [dreg:$0x10];
	v3 =	vperm.xlane v3, v2  }
0x49: {  	[hbm4b:s4+s2] =	stream.indirect_vreg.scatter [tilespmem:s11], [sflag:$0x1], $0x80, v4, vm0, $0xb8;
	[tilespmem:$0x12080] =	vst v63  }
0x4a: {  	v3 =	vadd.s32 v1, v3;
	s0 =	rddreg [dreg:$0x11]  }
0x4b: {  	[hbm4b:s5+s2] =	stream.indirect_vreg.scatter [tilespmem:s0], [sflag:$0x1], $0x80, v4, vm0, $0xb8;
	[tilespmem:$0x12080] =	vst v63  }
0x4c: {  	s11 =	rddreg [dreg:$0x12]  }
0x4d: {  	[hbm4b:s6+s2] =	stream.indirect_vreg.scatter [tilespmem:s11], [sflag:$0x1], $0x80, v4, vm0, $0xb8;
	[tilespmem:$0x12080] =	vst v63  }
0x4e: {  	s0 =	rddreg [dreg:$0x13]  }
0x4f: {  	[hbm4b:s3+s2] =	stream.indirect_vreg.scatter [tilespmem:s0], [sflag:$0x1], $0x80, v3, vm0, $0xb8;
	[tilespmem:$0x12080] =	vst v63  }
0x50: {  	s11 =	rddreg [dreg:$0x14]  }
0x51: {  	[hbm4b:s4+s2] =	stream.indirect_vreg.scatter [tilespmem:s11], [sflag:$0x1], $0x80, v3, vm0, $0xb8;
	[tilespmem:$0x12080] =	vst v63  }
0x52: {  	s11 =	simm.s32 $0x7080  }
0x53: {  	[hbm4b:s5+s2] =	stream.indirect_vreg.scatter [tilespmem:s11], [sflag:$0x1], $0x80, v3, vm0, $0xb8;
	[tilespmem:$0x12080] =	vst v63  }
0x54: {  	_ = 	snop  }
0x55: {  	[hbm4b:s6+s2] =	stream.indirect_vreg.scatter [tilespmem:s12], [sflag:$0x1], $0x80, v3, vm0, $0xb8;
	[tilespmem:$0x12080] =	vst v63  }
0x56: {  	v3 =	vld [tilespmem:$0x20];
	_ =	sdelay $0x4  }
0x57: {  	v62 =	vshll.u32 v3, $0x3  }
0x58: {  	v3 =	vand.u32 $0x7, v3;
	v4 =	vand.u32 $0xFFFFFFC0, v62  }
0x59: {  	v3 =	vor.u32 v3, v4  }
0x5a: {  	v4 =	vperm.xlane v3, v0;
	_ =	sdelay $0x1  }
0x5b: {  	v4 =	vadd.s32 v1, v4;
	_ =	sdelay $0x4  }
0x5c: {  	[hbm4b:s3+s2] =	stream.indirect_vreg.scatter [tilespmem:s13], [sflag:$0x1], $0x80, v4, vm0, $0xb8;
	[tilespmem:$0x12080] =	vst v63  }
0x5d: {  	v3 =	vperm.xlane v3, v2  }
0x5e: {  	[hbm4b:s4+s2] =	stream.indirect_vreg.scatter [tilespmem:s14], [sflag:$0x1], $0x80, v4, vm0, $0xb8;
	[tilespmem:$0x12080] =	vst v63  }
0x5f: {  	v3 =	vadd.s32 v1, v3  }
0x60: {  	[hbm4b:s5+s2] =	stream.indirect_vreg.scatter [tilespmem:s15], [sflag:$0x1], $0x80, v4, vm0, $0xb8;
	[tilespmem:$0x12080] =	vst v63  }
0x61: {  	_ = 	snop  }
0x62: {  	[hbm4b:s6+s2] =	stream.indirect_vreg.scatter [tilespmem:s16], [sflag:$0x1], $0x80, v4, vm0, $0xb8;
	[tilespmem:$0x12080] =	vst v63  }
0x63: {  	_ = 	snop  }
0x64: {  	[hbm4b:s3+s2] =	stream.indirect_vreg.scatter [tilespmem:s17], [sflag:$0x1], $0x80, v3, vm0, $0xb8;
	[tilespmem:$0x12080] =	vst v63  }
0x65: {  	_ = 	snop  }
0x66: {  	[hbm4b:s4+s2] =	stream.indirect_vreg.scatter [tilespmem:s18], [sflag:$0x1], $0x80, v3, vm0, $0xb8;
	[tilespmem:$0x12080] =	vst v63  }
0x67: {  	_ = 	snop  }
0x68: {  	[hbm4b:s5+s2] =	stream.indirect_vreg.scatter [tilespmem:s19], [sflag:$0x1], $0x80, v3, vm0, $0xb8;
	[tilespmem:$0x12080] =	vst v63  }
0x69: {  	_ = 	snop  }
0x6a: {  	[hbm4b:s6+s2] =	stream.indirect_vreg.scatter [tilespmem:s20], [sflag:$0x1], $0x80, v3, vm0, $0xb8;
	[tilespmem:$0x12080] =	vst v63  }
0x6b: {  	v3 =	vld [tilespmem:$0x30];
	_ =	sdelay $0x4  }
0x6c: {  	v63 =	vshll.u32 v3, $0x3  }
0x6d: {  	v3 =	vand.u32 $0x7, v3;
	v4 =	vand.u32 $0xFFFFFFC0, v63  }
0x6e: {  	v3 =	vor.u32 v3, v4  }
0x6f: {  	v4 =	vperm.xlane v3, v0;
	_ =	sdelay $0x1  }
0x70: {  	v4 =	vadd.s32 v1, v4;
	_ =	sdelay $0x4  }
0x71: {  	[hbm4b:s3+s2] =	stream.indirect_vreg.scatter [tilespmem:s21], [sflag:$0x1], $0x80, v4, vm0, $0xb8;
	[tilespmem:$0x12080] =	vst v63  }
0x72: {  	v3 =	vperm.xlane v3, v2  }
0x73: {  	[hbm4b:s4+s2] =	stream.indirect_vreg.scatter [tilespmem:s22], [sflag:$0x1], $0x80, v4, vm0, $0xb8;
	[tilespmem:$0x12080] =	vst v63  }
0x74: {  	v3 =	vadd.s32 v1, v3  }
0x75: {  	[hbm4b:s5+s2] =	stream.indirect_vreg.scatter [tilespmem:s23], [sflag:$0x1], $0x80, v4, vm0, $0xb8;
	[tilespmem:$0x12080] =	vst v63  }
0x76: {  	_ = 	snop  }
0x77: {  	[hbm4b:s6+s2] =	stream.indirect_vreg.scatter [tilespmem:s24], [sflag:$0x1], $0x80, v4, vm0, $0xb8;
	[tilespmem:$0x12080] =	vst v63  }
0x78: {  	_ = 	snop  }
0x79: {  	[hbm4b:s3+s2] =	stream.indirect_vreg.scatter [tilespmem:s25], [sflag:$0x1], $0x80, v3, vm0, $0xb8;
	[tilespmem:$0x12080] =	vst v63  }
0x7a: {  	_ = 	snop  }
0x7b: {  	[hbm4b:s4+s2] =	stream.indirect_vreg.scatter [tilespmem:s26], [sflag:$0x1], $0x80, v3, vm0, $0xb8;
	[tilespmem:$0x12080] =	vst v63  }
0x7c: {  	_ = 	snop  }
0x7d: {  	[hbm4b:s5+s2] =	stream.indirect_vreg.scatter [tilespmem:s28], [sflag:$0x1], $0x80, v3, vm0, $0xb8;
	[tilespmem:$0x12080] =	vst v63  }
0x7e: {  	_ = 	snop  }
0x7f: {  	[hbm4b:s6+s2] =	stream.indirect_vreg.scatter [tilespmem:s29], [sflag:$0x1], $0x80, v3, vm0, $0xb8;
	[tilespmem:$0x12080] =	vst v63  }
0x80: {  	s11 =	rddreg [dreg:$0x4]  }
0x81: {  	[hbm4b:s11+s30] =	stream.indirect.scatter [tilespmem:s10], [sflag:$0x2], $0x80, s2, s30, $0xb8;
	[tilespmem:$0x12080] =	vst v63  }
0x82: {  	p0 =	sne.s32 s7, $0x1;
	_ =	swait.ge [sflag:s31], $0x10000  }
.Ltmp0:
0x83: {  	[sflag:s31] =	ssyncset.done $0x0;
	(pc) =	sbr.rel @p0 .LBB2_1-.Ltmp0, $4  }
0x84: {  	[sflag:s31] =	ssyncadd.s32 $0xFFFF0000  }
0x85: {  	_ =	swait.ge [sflag:s1], $0x2000  }
0x86: {  	[sflag:s1] =	ssyncset.done $0x0  }
0x87: {  	s7 =	sadd.s32 $0xFFFFFFFF, s7;
	[sflag:s1] =	ssyncadd.s32 $0xFFFFE000  }
0x88: {  	_ =	sfence.sel $0x180000  }
0x89: {  	[bflag:$0x0] =	sbarrier.arrive $0xFFFF  }
0x8a: {  	_ =	strace $0x90000047  }
0x8b: {  	s0 =	stileid.u32;
	[bflag:$0x2] =	sbarrier.arrive $0xFFFF  }
0x8c: {  	p0 =	sne.s32 s0, $0x0;
	s0 =	rddreg [dreg:$0x3]  }
0x8d: {  	s0 =	sadd.s32 @!p0 $0x100000, s0  }
0x8e: {  	[sflag:s0] =	ssyncadd.tile.s32 @!p0 $0x1;
	_ =	shalt  }
.Lfunc_end2:
_tile_overlayer_lowered:
.L_overlay_start_2:
0x8f: {  	(tag) =	ssettag $0x2  }
0x90: {  	s0 =	rddreg [dreg:$0x0];
	s2 =	stileid.u32  }
0x91: {  	s1 =	rddreg [dreg:$0x1];
	p0 =	sne.s32 s2, $0x0  }
0x92: {  	s3 =	rddreg [dreg:$0x2];
	[bflag:$0x3] =	sbarrier.arrive $0xFFFF;
	s2 =	simm.s32 @!p0 $0x1C03  }
0x93: {  	[timem:s3], [sflag:s2] =	dma.local @!p0 [hbm:s0], s1  }
0x94: {  	s0 =	simm.s32 @!p0 $0x3  }
0x95: {  	_ =	swait.ge @!p0 [sflag:s0], s1  }
0x96: {  	s1 =	ssub.s32 @!p0 $0x0, s1;
	[sflag:s0] =	ssyncset.done @!p0 $0x0  }
0x97: {  	[sflag:s0] =	ssyncadd.s32 @!p0 s1  }
0x98: {  	[bflag:$0x3] =	sbarrier.arrive $0xFFFF  }
0x99: {  	_ =	shalt  }

// kernel: kernel.9.cloned.1.call-start
scs
__scs_entry_jumppad:
0x0: {  	(pc) =	sbr.rel $0x88, $3  }
0x1: {  	(tag) =	ssettag $0x0;
	lr =	simm.s32 $0x1  }
0x2: {  	[smem:$0x3F9D] =	sst lr;
	_ =	strace $0xD0000000  }
0x3: {  	_ = 	snop  }
0x4: {  	_ = 	snop  }
0x5: {  	_ = 	snop  }
0x6: {  	_ = 	snop  }
0x7: {  	_ = 	snop  }
__scs_overlays_trampoline_lowered:
0x8: {  	[smem:$0x3FAC] =	sst s0  }
0x9: {  	[smem:$0x3FAD] =	sst s1  }
0xa: {  	[smem:$0x3FAE] =	sst s2  }
0xb: {  	[smem:$0x3FAF] =	sst s3  }
0xc: {  	[smem:$0x3FB0] =	sst s4  }
0xd: {  	[smem:$0x3FB1] =	sst s5  }
0xe: {  	[smem:$0x3FB2] =	sst s6  }
0xf: {  	[smem:$0x3FB3] =	sst s7  }
0x10: {  	[smem:$0x3FB4] =	sst s8  }
0x11: {  	[smem:$0x3FB5] =	sst s9;
	s0 =	simm.s32 @!p0 $0x0  }
0x12: {  	s1 =	sld [smem:$0x3F9B];
	s0 =	simm.s32 @p0 $0x1  }
0x13: {  	[smem:$0x3FB6] =	sst s0;
	s0 =	simm.s32 @!p1 $0x0  }
0x14: {  	s2 =	sld [smem:$0x3F9A];
	s0 =	simm.s32 @p1 $0x1  }
0x15: {  	[smem:$0x3FB7] =	sst s0;
	s0 =	simm.s32 @!p2 $0x0  }
0x16: {  	s3 =	sld [smem:$0x3FDB];
	s0 =	simm.s32 @p2 $0x1  }
0x17: {  	s4 =	simm.s32 $0x1BF5;
	[smem:$0x3FB9] =	sst s0  }
0x18: {  	s0 =	sld [smem:$0x3F9C];
	_ =	swait.ge [sflag:s4], $0x0  }
0x19: {  	s7 =	sld [smem:$0x3F9D]  }
0x1a: {  	s8 =	sadd.s32 $0xFFFFE003, lr  }
0x1b: {  	s9 =	sadd.s32 $0xFFFFFEF7, lr;
	s5 =	simm.s32 $0xFFFFFFFF;
	p2 =	slt.u32 s8, $0xFFFFF086  }
0x1c: {  	p1 =	slt.u32 s9, $0xF7A;
	s5 =	simm.s32 @!p2 $0x0  }
0x1d: {  	s5 =	simm.s32 @p1 $0x1;
	p0 =	seq.s32 s7, s2  }
0x1e: {  	s7 =	smul.u32 @!p0 $0xF7A, s2;
	p2 =	seq.s32 @!p0 s5, $0x0  }
0x1f: {  	s9 =	smul.u32 $0xF7A, s1;
	s8 =	simm.s32 @!p0 $0x1BF5;
	p2 =	por !p2, p0  }
0x20: {  	[sflag:s8] =	ssyncset.s32 @!p0 $0xFFFFF086;
	s6 =	sadd.s32 @!p0 s3, s7;
	s7 =	simm.s32 @!p0 $0x108  }
0x21: {  	s3 =	sadd.s32 s3, s9;
	s6 =	sadd.s32 @!p0 $0x88, s6;
	s7 =	simm.s32 @p2 $0x1082  }
0x22: {  	[simem:s7], [sflag:s8] =	dma.local @!p0 [hbm:s6], $0xF7A  }
0x23: {  	s9 =	sor.u32 $0xD0000000, s2;
	s6 =	simm.s32 $0x108;
	_ =	swait.ge @!p0 [sflag:s8], $0x0  }
0x24: {  	s3 =	sadd.s32 $0x88, s3;
	s6 =	simm.s32 @!p1 $0x1082;
	[sflag:s4] =	ssyncset.s32 $0xFFFFF086  }
0x25: {  	[simem:s6], [sflag:s4] =	dma.local [hbm:s3], $0xF7A  }
0x26: {  	[smem:$0x3F9D] =	sst s1;
	(tag) =	ssettag s2;
	_ =	strace s9  }
0x27: {  	s1 =	sld [smem:$0x3FAD]  }
0x28: {  	s2 =	sld [smem:$0x3FAE]  }
0x29: {  	s4 =	sld [smem:$0x3FB0]  }
0x2a: {  	p0 =	seq.s32 s5, $0x0;
	s5 =	sld [smem:$0x3FB1]  }
0x2b: {  	s6 =	sld [smem:$0x3FB2]  }
0x2c: {  	s7 =	sld [smem:$0x3FB3]  }
0x2d: {  	s3 =	simm.s32 $0x108;
	s8 =	sld [smem:$0x3FB4]  }
0x2e: {  	s3 =	simm.s32 @!p0 $0x1082;
	s9 =	sld [smem:$0x3FB5]  }
0x2f: {  	lr =	sadd.s32 s0, s3;
	s0 =	sld [smem:$0x3FAC]  }
0x30: {  	s3 =	sld [smem:$0x3FAF]  }
0x31: {  	[smem:$0x3FB8] =	sst s10  }
0x32: {  	s10 =	sld [smem:$0x3FB6];
	_ =	sdelay $0x3  }
0x33: {  	p0 =	seq.s32 s10, $0x1;
	s10 =	sld [smem:$0x3FB8];
	_ =	sdelay $0x3  }
0x34: {  	[smem:$0x3FB8] =	sst s10  }
0x35: {  	s10 =	sld [smem:$0x3FB7];
	_ =	sdelay $0x3  }
0x36: {  	p1 =	seq.s32 s10, $0x1;
	s10 =	sld [smem:$0x3FB8];
	_ =	sdelay $0x3  }
0x37: {  	[smem:$0x3FB8] =	sst s10  }
0x38: {  	s10 =	sld [smem:$0x3FB9]  }
0x39: {  	_ = 	snop;
	(pc) =	sbr.ind lr, $3  }
0x3a: {  	_ = 	snop  }
0x3b: {  	_ = 	snop  }
0x3c: {  	p2 =	seq.s32 s10, $0x1;
	s10 =	sld [smem:$0x3FB8]  }
0x3d: {  	_ =	shalt  }
0x3e: {  	_ =	shalt  }
0x3f: {  	_ =	shalt  }
0x40: {  	_ =	shalt  }
0x41: {  	_ =	shalt  }
0x42: {  	_ =	shalt  }
0x43: {  	_ =	shalt  }
0x44: {  	_ =	shalt  }
0x45: {  	_ =	shalt  }
0x46: {  	_ =	shalt  }
0x47: {  	_ =	shalt  }
0x48: {  	_ =	shalt  }
0x49: {  	_ =	shalt  }
0x4a: {  	_ =	shalt  }
0x4b: {  	_ =	shalt  }
0x4c: {  	_ =	shalt  }
0x4d: {  	_ =	shalt  }
0x4e: {  	_ =	shalt  }
0x4f: {  	_ =	shalt  }
0x50: {  	_ =	shalt  }
0x51: {  	_ =	shalt  }
0x52: {  	_ =	shalt  }
0x53: {  	_ =	shalt  }
0x54: {  	_ =	shalt  }
0x55: {  	_ =	shalt  }
0x56: {  	_ =	shalt  }
0x57: {  	_ =	shalt  }
0x58: {  	_ =	shalt  }
0x59: {  	_ =	shalt  }
0x5a: {  	_ =	shalt  }
0x5b: {  	_ =	shalt  }
0x5c: {  	_ =	shalt  }
0x5d: {  	_ =	shalt  }
0x5e: {  	_ =	shalt  }
0x5f: {  	_ =	shalt  }
0x60: {  	_ =	shalt  }
0x61: {  	_ =	shalt  }
0x62: {  	_ =	shalt  }
0x63: {  	_ =	shalt  }
0x64: {  	_ =	shalt  }
0x65: {  	_ =	shalt  }
0x66: {  	_ =	shalt  }
0x67: {  	_ =	shalt  }
0x68: {  	_ =	shalt  }
0x69: {  	_ =	shalt  }
0x6a: {  	_ =	shalt  }
0x6b: {  	_ =	shalt  }
0x6c: {  	_ =	shalt  }
0x6d: {  	_ =	shalt  }
0x6e: {  	_ =	shalt  }
0x6f: {  	_ =	shalt  }
0x70: {  	_ =	shalt  }
0x71: {  	_ =	shalt  }
0x72: {  	_ =	shalt  }
0x73: {  	_ =	shalt  }
0x74: {  	_ =	shalt  }
0x75: {  	_ =	shalt  }
0x76: {  	_ =	shalt  }
0x77: {  	_ =	shalt  }
0x78: {  	_ =	shalt  }
0x79: {  	_ =	shalt  }
0x7a: {  	_ =	shalt  }
0x7b: {  	_ =	shalt  }
0x7c: {  	_ =	shalt  }
0x7d: {  	_ =	shalt  }
0x7e: {  	_ =	shalt  }
0x7f: {  	_ =	shalt  }
0x80: {  	_ =	shalt  }
0x81: {  	_ =	shalt  }
0x82: {  	_ =	shalt  }
0x83: {  	_ =	shalt  }
0x84: {  	_ =	shalt  }
0x85: {  	_ =	shalt  }
0x86: {  	_ =	shalt  }
0x87: {  	_ =	shalt  }
.Lfunc_end0:
.L_simem_size_0:
called_computation.1_lowered:
.L_overlay_start_0:
0x88: {  	s2 =	sld [smem:$0x3FD9]  }
0x89: {  	s3 =	sld [smem:$0x3FFE];
	_ =	sdelay $0x1  }
0x8a: {  	s1 =	srdreg.scid  }
0x8b: {  	s0 =	sand.u32 $0x1, s1  }
0x8c: {  	s14 =	sshll.u32 s0, $0xA;
	s2 =	sadd.s32 s3, s2  }
0x8d: {  	s2 =	sadd.s32 s2, s14  }
0x8e: {  	[smem:$0x3FC4] =	sst s2  }
0x8f: {  	_ = 	snop  }
0x90: {  	s2 =	sld [smem:$0x3FD0];
	_ =	sdelay $0x2  }
0x91: {  	s15 =	simm.s32 $0xA;
	s4 =	simm.s32 $0x10  }
0x92: {  	[smem:s4], [sflag:s15] =	dma.local [hbm:s2], $0x1  }
0x93: {  	_ =	swait.eq [sflag:s15], $0x1  }
0x94: {  	[sflag:s15] =	ssyncset.done $0x0  }
0x95: {  	[sflag:s15] =	ssyncadd.s32 $0xFFFFFFFF  }
0x96: {  	s16 =	sld [smem:$0x10];
	(tm) =	ssettm $0x1  }
0x97: {  	s17 =	sld [smem:$0x3FFB];
	_ =	sdelay $0x3  }
0x98: {  	_ =	strace s17  }
0x99: {  	s3 =	sld [smem:$0x3FFC];
	_ =	sdelay $0x3  }
0x9a: {  	_ =	strace s3  }
0x9b: {  	s3 =	sld [smem:$0x3FFD];
	_ =	sdelay $0x3  }
0x9c: {  	_ =	strace s3  }
0x9d: {  	_ =	strace $0x8FFFFFFF  }
0x9e: {  	s18 =	sld [smem:$0x3FDB];
	_ =	sdelay $0x1  }
0x9f: {  	s19 =	simm.s32 $_scs_section_size  }
0xa0: {  	s5 =	simm.s32 $_size__tile_overlayer_lowered;
	s6 =	simm.s32 $_tile_overlayer_lowered  }
0xa1: {  	s22 =	simm.s32 $0x1BFF;
	s21 =	sshll.u32 s6, $0x1;
	s3 =	sadd.s32 s19, s18  }
0xa2: {  	s7 =	simm.s32 $0x0;
	s20 =	sshll.u32 s5, $0x1;
	s5 =	sadd.s32 s21, s3  }
0xa3: {  	[timem:s7], [sflag:s22] =	dma.local [hbm:s5], s20  }
0xa4: {  	_ =	swait.ge [sflag:s22], s20  }
0xa5: {  	s4 =	ssub.s32 $0x0, s20;
	[sflag:s22] =	ssyncset.done $0x0  }
0xa6: {  	[sflag:s22] =	ssyncadd.s32 s4;
	_ =	sdelay $0x1  }
0xa7: {  	s23 =	simm.s32 $0x1B8B  }
0xa8: {  	_ =	swait.ge [sflag:s23], $0x1  }
0xa9: {  	[sflag:s23] =	ssyncset.done $0x0  }
0xaa: {  	s25 =	simm.s32 $0x1B8E;
	s24 =	sld [smem:$0x3FFE];
	[sflag:s23] =	ssyncadd.s32 $0xFFFFFFFF  }
0xab: {  	s26 =	simm.s32 $execute0_lowered;
	[smem:$0x3FD2] =	sst s25  }
0xac: {  	s5 =	sshll.u32 s26, $0x1;
	_ =	strace $0x80000049;
	[dreg:$0x1] =	wrdreg $0xFFFFFFFF  }
0xad: {  	s28 =	simm.s32 $_size_execute0_lowered;
	s3 =	sadd.s32 s3, s5;
	[dreg:$0x0] =	wrdreg $0x0  }
0xae: {  	s5 =	sshll.u32 s28, $0x1;
	[dreg:$0x2] =	wrdreg s3  }
0xaf: {  	[dreg:$0x3] =	wrdreg s5  }
0xb0: {  	[dreg:$0x4] =	wrdreg $0xC0  }
0xb1: {  	_ =	task [dreg:s7], $0x5FFFF  }
0xb2: {  	[dreg:$0x1] =	wrdreg $0xFFFFFFFF  }
0xb3: {  	[dreg:$0x0] =	wrdreg $0x60  }
0xb4: {  	[dreg:$0x2] =	wrdreg s24  }
0xb5: {  	[dreg:$0x3] =	wrdreg s16  }
0xb6: {  	[dreg:$0x4] =	wrdreg $0x9  }
0xb7: {  	_ =	task.clear_ibuf [dreg:s7], $0x5FFFF;
	_ =	strace $0x90000049  }
0xb8: {  	s29 =	simm.s32 $0x9;
	_ =	strace $0x8000004B  }
0xb9: {  	_ =	swait.ge [sflag:s29], $0x1  }
0xba: {  	[sflag:s29] =	ssyncadd.s32 $0xFFFFFFFF  }
0xbb: {  	_ =	strace $0x9000004B  }
0xbc: {  	_ =	sfence  }
0xbd: {  	s30 =	sld [smem:$0x0];
	_ =	sdelay $0x2  }
0xbe: {  	s31 =	sshll.u32 s1, $0xD;
	s1 =	sshrl.u32 s1, $0x2  }
0xbf: {  	s3 =	sand.u32 $0x4000, s31;
	s1 =	sadd.s32 s1, s30  }
0xc0: {  	s0 =	sor.u32 s3, s0;
	s1 =	sshll.u32 s1, $0x11  }
0xc1: {  	s0 =	sor.u32 s1, s0  }
0xc2: {  	s0 =	sadd.s32 $0x8F2B, s0  }
0xc3: {  	[sflag:s0] =	ssyncadd.remote.s32 $0x1  }
0xc4: {  	_ =	sfence.sel $0xFFFF  }
0xc5: {  	[dreg:$0x0] =	wrdreg $0xFFFFFFFF;
	(pc) =	sbr.abs _section_cstart, $3  }
0xc6: {  	[dreg:$0x1] =	wrdreg $0xFFFFFFFF  }
0xc7: {  	_ =	task.clear_ibuf [dreg:s7], $0x2FFFF;
	_ =	strace $0x9FFFFFFF  }
0xc8: {  	(tm) =	ssettm $0x7FFFFFFF  }
0xc9: {  	_ =	shalt  }
tec
execute0_lowered:
.L_overlay_start_1:
0x0: {  	(tag) =	ssettag $0x1  }
0x1: {  	s1 =	srdreg.scid  }
0x2: {  	s0 =	stileid.u32;
	s6 =	rddreg [dreg:$0x0]  }
0x3: {  	s4 =	rddreg [dreg:$0x1];
	s18 =	simm.s32 $0x880;
	s19 =	simm.s32 $0x1080  }
0x4: {  	s20 =	simm.s32 $0x1880;
	s22 =	simm.s32 $0x2080;
	s23 =	simm.s32 $0x2880  }
0x5: {  	s7 =	simm.s32 $0x3080;
	s24 =	simm.s32 $0x3880;
	s8 =	simm.s32 $0x4080  }
0x6: {  	s25 =	simm.s32 $0x4880;
	s26 =	simm.s32 $0x5080;
	s1 =	sand.u32 $0x1, s1  }
0x7: {  	s9 =	simm.s32 $0x80;
	s2 =	sshll.u32 s0, $0x7;
	s3 =	sshll.u32 s1, $0x6  }
0x8: {  	s11 =	simm.s32 $0x6080;
	s3 =	sor.u32 s3, s2;
	s2 =	simm.s32 $0x0  }
0x9: {  	s12 =	simm.s32 $0x6880;
	s13 =	simm.s32 $0x7080;
	[smem:$0x7FF] =	sst s2  }
0xa: {  	s14 =	simm.s32 $0x7880;
	_ =	strace $0x8000004A;
	[dreg:$0x5] =	wrdreg s18  }
0xb: {  	s15 =	simm.s32 $0x8080;
	s16 =	simm.s32 $0x8880;
	[dreg:$0x6] =	wrdreg s19  }
0xc: {  	s17 =	simm.s32 $0x9080;
	s28 =	simm.s32 $0xE080;
	[dreg:$0x7] =	wrdreg s20  }
0xd: {  	s29 =	simm.s32 $0xE880;
	s30 =	simm.s32 $0xF080;
	[dreg:$0x8] =	wrdreg s22  }
0xe: {  	s31 =	simm.s32 $0xF880;
	s1 =	ssub.s32 $0x2, s1;
	[dreg:$0x9] =	wrdreg s23  }
0xf: {  	s21 =	sshrl.u32 s1, $0x1;
	s5 =	sshrl.u32 s3, $0x3;
	[dreg:$0xa] =	wrdreg s7  }
0x10: {  	s3 =	sshll.u32 s3, $0x7;
	s1 =	ssub.s32 s1, s21;
	[dreg:$0xb] =	wrdreg s24  }
0x11: {  	s21 =	simm.s32 $0xB080;
	s5 =	sadd.s32 s5, s6;
	[dreg:$0xc] =	wrdreg s8  }
0x12: {  	s3 =	sadd.s32 s4, s3;
	s4 =	sadd.s32 $0x8500, s6;
	[dreg:$0xd] =	wrdreg s25  }
0x13: {  	s7 =	smax.u32 s1, $0x1;
	s8 =	simm.s32 $0x2;
	[dreg:$0xe] =	wrdreg s26  }
0x14: {  	s18 =	simm.s32 $0x9880;
	s19 =	simm.s32 $0xA080;
	s20 =	simm.s32 $0xA880  }
0x15: {  	s22 =	simm.s32 $0xB880;
	s23 =	simm.s32 $0xC080;
	s24 =	simm.s32 $0xC880  }
0x16: {  	v2 =	vlaneseq.u32;
	s25 =	simm.s32 $0xD080;
	s26 =	simm.s32 $0xD880;
	s1 =	simm.s32 $0x1  }
0x17: {  	vm0 =	vmmov $0xffff;
	v1 =	vshrl.u32 v2, $0x3;
	s5 =	sadd.s32 $0x8200, s5;
	[dreg:$0x4] =	wrdreg s3;
	s3 =	sadd.s32 $0x8400, s6  }
0x18: {  	v0 =	vand.u32 $0x7, v2;
	v2 =	vor.u32 $0x8, v2;
	v1 =	vmul.u32 $0x8, v1;
	[dreg:$0x3] =	wrdreg s5;
	s5 =	sadd.s32 $0x8600, s6;
	s6 =	sadd.s32 $0x8700, s6  }
.LBB2_1:
0x19: {  	s0 =	rddreg [dreg:$0x3]  }
0x1a: {  	[tilespmem:s2], [sflag:$0x2] =	stream.linear.gather [hbm4b:s0+s2], $0x40, $0x38;
	[tilespmem:$0x10080] =	vst v63  }
0x1b: {  	_ =	swait.ge [sflag:s8], $0x40  }
0x1c: {  	[sflag:s8] =	ssyncset.done $0x0  }
0x1d: {  	[sflag:s8] =	ssyncadd.s32 $0xFFFFFFC0  }
0x1e: {  	v3 =	vld [tilespmem:$0x0];
	_ =	sdelay $0x4  }
0x1f: {  	v4 =	vshll.u32 v3, $0x3  }
0x20: {  	v3 =	vand.u32 $0x7, v3;
	v4 =	vand.u32 $0xFFFFFFC0, v4  }
0x21: {  	v3 =	vor.u32 v3, v4  }
0x22: {  	v4 =	vperm.xlane v3, v0;
	_ =	sdelay $0x1  }
0x23: {  	v4 =	vadd.s32 v1, v4;
	_ =	sdelay $0x4  }
0x24: {  	[tilespmem:s9], [sflag:$0x1] =	stream.indirect_vreg.gather [hbm4b:s3+s2], $0x80, v4, vm0, $0xb8;
	[tilespmem:$0x10080] =	vst v63  }
0x25: {  	s0 =	rddreg [dreg:$0x5];
	v3 =	vperm.xlane v3, v2  }
0x26: {  	[tilespmem:s0], [sflag:$0x1] =	stream.indirect_vreg.gather [hbm4b:s4+s2], $0x80, v4, vm0, $0xb8;
	[tilespmem:$0x10080] =	vst v63  }
0x27: {  	s10 =	rddreg [dreg:$0x6];
	v3 =	vadd.s32 v1, v3  }
0x28: {  	[tilespmem:s10], [sflag:$0x1] =	stream.indirect_vreg.gather [hbm4b:s5+s2], $0x80, v4, vm0, $0xb8;
	[tilespmem:$0x10080] =	vst v63  }
0x29: {  	s0 =	rddreg [dreg:$0x7]  }
0x2a: {  	[tilespmem:s0], [sflag:$0x1] =	stream.indirect_vreg.gather [hbm4b:s6+s2], $0x80, v4, vm0, $0xb8;
	[tilespmem:$0x10080] =	vst v63  }
0x2b: {  	s10 =	rddreg [dreg:$0x8]  }
0x2c: {  	[tilespmem:s10], [sflag:$0x1] =	stream.indirect_vreg.gather [hbm4b:s3+s2], $0x80, v3, vm0, $0xb8;
	[tilespmem:$0x10080] =	vst v63  }
0x2d: {  	s0 =	rddreg [dreg:$0x9]  }
0x2e: {  	[tilespmem:s0], [sflag:$0x1] =	stream.indirect_vreg.gather [hbm4b:s4+s2], $0x80, v3, vm0, $0xb8;
	[tilespmem:$0x10080] =	vst v63  }
0x2f: {  	s10 =	rddreg [dreg:$0xa]  }
0x30: {  	[tilespmem:s10], [sflag:$0x1] =	stream.indirect_vreg.gather [hbm4b:s5+s2], $0x80, v3, vm0, $0xb8;
	[tilespmem:$0x10080] =	vst v63  }
0x31: {  	s0 =	rddreg [dreg:$0xb]  }
0x32: {  	[tilespmem:s0], [sflag:$0x1] =	stream.indirect_vreg.gather [hbm4b:s6+s2], $0x80, v3, vm0, $0xb8;
	[tilespmem:$0x10080] =	vst v63  }
0x33: {  	v3 =	vld [tilespmem:$0x10];
	_ =	sdelay $0x4  }
0x34: {  	v61 =	vshll.u32 v3, $0x3  }
0x35: {  	v3 =	vand.u32 $0x7, v3;
	v4 =	vand.u32 $0xFFFFFFC0, v61  }
0x36: {  	v3 =	vor.u32 v3, v4  }
0x37: {  	v4 =	vperm.xlane v3, v0;
	_ =	sdelay $0x1  }
0x38: {  	v4 =	vadd.s32 v1, v4;
	_ =	sdelay $0x3  }
0x39: {  	s0 =	rddreg [dreg:$0xc]  }
0x3a: {  	[tilespmem:s0], [sflag:$0x1] =	stream.indirect_vreg.gather [hbm4b:s3+s2], $0x80, v4, vm0, $0xb8;
	[tilespmem:$0x10080] =	vst v63  }
0x3b: {  	s10 =	rddreg [dreg:$0xd];
	v3 =	vperm.xlane v3, v2  }
0x3c: {  	[tilespmem:s10], [sflag:$0x1] =	stream.indirect_vreg.gather [hbm4b:s4+s2], $0x80, v4, vm0, $0xb8;
	[tilespmem:$0x10080] =	vst v63  }
0x3d: {  	v3 =	vadd.s32 v1, v3;
	s0 =	rddreg [dreg:$0xe]  }
0x3e: {  	[tilespmem:s0], [sflag:$0x1] =	stream.indirect_vreg.gather [hbm4b:s5+s2], $0x80, v4, vm0, $0xb8;
	[tilespmem:$0x10080] =	vst v63  }
0x3f: {  	s10 =	simm.s32 $0x5880  }
0x40: {  	[tilespmem:s10], [sflag:$0x1] =	stream.indirect_vreg.gather [hbm4b:s6+s2], $0x80, v4, vm0, $0xb8;
	[tilespmem:$0x10080] =	vst v63  }
0x41: {  	_ = 	snop  }
0x42: {  	[tilespmem:s11], [sflag:$0x1] =	stream.indirect_vreg.gather [hbm4b:s3+s2], $0x80, v3, vm0, $0xb8;
	[tilespmem:$0x10080] =	vst v63  }
0x43: {  	_ = 	snop  }
0x44: {  	[tilespmem:s12], [sflag:$0x1] =	stream.indirect_vreg.gather [hbm4b:s4+s2], $0x80, v3, vm0, $0xb8;
	[tilespmem:$0x10080] =	vst v63  }
0x45: {  	_ = 	snop  }
0x46: {  	[tilespmem:s13], [sflag:$0x1] =	stream.indirect_vreg.gather [hbm4b:s5+s2], $0x80, v3, vm0, $0xb8;
	[tilespmem:$0x10080] =	vst v63  }
0x47: {  	_ = 	snop  }
0x48: {  	[tilespmem:s14], [sflag:$0x1] =	stream.indirect_vreg.gather [hbm4b:s6+s2], $0x80, v3, vm0, $0xb8;
	[tilespmem:$0x10080] =	vst v63  }
0x49: {  	v3 =	vld [tilespmem:$0x20];
	_ =	sdelay $0x4  }
0x4a: {  	v62 =	vshll.u32 v3, $0x3  }
0x4b: {  	v3 =	vand.u32 $0x7, v3;
	v4 =	vand.u32 $0xFFFFFFC0, v62  }
0x4c: {  	v3 =	vor.u32 v3, v4  }
0x4d: {  	v4 =	vperm.xlane v3, v0;
	_ =	sdelay $0x1  }
0x4e: {  	v4 =	vadd.s32 v1, v4;
	_ =	sdelay $0x4  }
0x4f: {  	[tilespmem:s15], [sflag:$0x1] =	stream.indirect_vreg.gather [hbm4b:s3+s2], $0x80, v4, vm0, $0xb8;
	[tilespmem:$0x10080] =	vst v63  }
0x50: {  	v3 =	vperm.xlane v3, v2  }
0x51: {  	[tilespmem:s16], [sflag:$0x1] =	stream.indirect_vreg.gather [hbm4b:s4+s2], $0x80, v4, vm0, $0xb8;
	[tilespmem:$0x10080] =	vst v63  }
0x52: {  	v3 =	vadd.s32 v1, v3  }
0x53: {  	[tilespmem:s17], [sflag:$0x1] =	stream.indirect_vreg.gather [hbm4b:s5+s2], $0x80, v4, vm0, $0xb8;
	[tilespmem:$0x10080] =	vst v63  }
0x54: {  	_ = 	snop  }
0x55: {  	[tilespmem:s18], [sflag:$0x1] =	stream.indirect_vreg.gather [hbm4b:s6+s2], $0x80, v4, vm0, $0xb8;
	[tilespmem:$0x10080] =	vst v63  }
0x56: {  	_ = 	snop  }
0x57: {  	[tilespmem:s19], [sflag:$0x1] =	stream.indirect_vreg.gather [hbm4b:s3+s2], $0x80, v3, vm0, $0xb8;
	[tilespmem:$0x10080] =	vst v63  }
0x58: {  	_ = 	snop  }
0x59: {  	[tilespmem:s20], [sflag:$0x1] =	stream.indirect_vreg.gather [hbm4b:s4+s2], $0x80, v3, vm0, $0xb8;
	[tilespmem:$0x10080] =	vst v63  }
0x5a: {  	_ = 	snop  }
0x5b: {  	[tilespmem:s21], [sflag:$0x1] =	stream.indirect_vreg.gather [hbm4b:s5+s2], $0x80, v3, vm0, $0xb8;
	[tilespmem:$0x10080] =	vst v63  }
0x5c: {  	_ = 	snop  }
0x5d: {  	[tilespmem:s22], [sflag:$0x1] =	stream.indirect_vreg.gather [hbm4b:s6+s2], $0x80, v3, vm0, $0xb8;
	[tilespmem:$0x10080] =	vst v63  }
0x5e: {  	v3 =	vld [tilespmem:$0x30];
	_ =	sdelay $0x4  }
0x5f: {  	v63 =	vshll.u32 v3, $0x3  }
0x60: {  	v3 =	vand.u32 $0x7, v3;
	v4 =	vand.u32 $0xFFFFFFC0, v63  }
0x61: {  	v3 =	vor.u32 v3, v4  }
0x62: {  	v4 =	vperm.xlane v3, v0;
	_ =	sdelay $0x1  }
0x63: {  	v4 =	vadd.s32 v1, v4;
	_ =	sdelay $0x4  }
0x64: {  	[tilespmem:s23], [sflag:$0x1] =	stream.indirect_vreg.gather [hbm4b:s3+s2], $0x80, v4, vm0, $0xb8;
	[tilespmem:$0x10080] =	vst v63  }
0x65: {  	v3 =	vperm.xlane v3, v2  }
0x66: {  	[tilespmem:s24], [sflag:$0x1] =	stream.indirect_vreg.gather [hbm4b:s4+s2], $0x80, v4, vm0, $0xb8;
	[tilespmem:$0x10080] =	vst v63  }
0x67: {  	v3 =	vadd.s32 v1, v3  }
0x68: {  	[tilespmem:s25], [sflag:$0x1] =	stream.indirect_vreg.gather [hbm4b:s5+s2], $0x80, v4, vm0, $0xb8;
	[tilespmem:$0x10080] =	vst v63  }
0x69: {  	_ = 	snop  }
0x6a: {  	[tilespmem:s26], [sflag:$0x1] =	stream.indirect_vreg.gather [hbm4b:s6+s2], $0x80, v4, vm0, $0xb8;
	[tilespmem:$0x10080] =	vst v63  }
0x6b: {  	_ = 	snop  }
0x6c: {  	[tilespmem:s28], [sflag:$0x1] =	stream.indirect_vreg.gather [hbm4b:s3+s2], $0x80, v3, vm0, $0xb8;
	[tilespmem:$0x10080] =	vst v63  }
0x6d: {  	_ = 	snop  }
0x6e: {  	[tilespmem:s29], [sflag:$0x1] =	stream.indirect_vreg.gather [hbm4b:s4+s2], $0x80, v3, vm0, $0xb8;
	[tilespmem:$0x10080] =	vst v63  }
0x6f: {  	_ = 	snop  }
0x70: {  	[tilespmem:s30], [sflag:$0x1] =	stream.indirect_vreg.gather [hbm4b:s5+s2], $0x80, v3, vm0, $0xb8;
	[tilespmem:$0x10080] =	vst v63  }
0x71: {  	_ = 	snop  }
0x72: {  	[tilespmem:s31], [sflag:$0x1] =	stream.indirect_vreg.gather [hbm4b:s6+s2], $0x80, v3, vm0, $0xb8;
	[tilespmem:$0x10080] =	vst v63  }
0x73: {  	_ =	swait.ge [sflag:s1], $0x10000  }
0x74: {  	p0 =	sne.s32 s7, $0x1;
	[sflag:s1] =	ssyncset.done $0x0  }
.Ltmp0:
0x75: {  	s10 =	rddreg [dreg:$0x4];
	[sflag:s1] =	ssyncadd.s32 $0xFFFF0000;
	(pc) =	sbr.rel @p0 .LBB2_1-.Ltmp0, $4  }
0x76: {  	[hbm4b:s10+s2] =	stream.linear.scatter [tilespmem:s9], [sflag:$0x2], $0x10000, $0x38;
	[tilespmem:$0x10080] =	vst v63  }
0x77: {  	_ =	swait.ge [sflag:s8], $0x10000  }
0x78: {  	[sflag:s8] =	ssyncset.done $0x0  }
0x79: {  	s7 =	sadd.s32 $0xFFFFFFFF, s7;
	[sflag:s8] =	ssyncadd.s32 $0xFFFF0000  }
0x7a: {  	_ =	sfence.sel $0x180000  }
0x7b: {  	[bflag:$0x0] =	sbarrier.arrive $0xFFFF  }
0x7c: {  	_ =	strace $0x9000004A  }
0x7d: {  	s0 =	stileid.u32;
	[bflag:$0x2] =	sbarrier.arrive $0xFFFF  }
0x7e: {  	p0 =	sne.s32 s0, $0x0;
	s0 =	rddreg [dreg:$0x2]  }
0x7f: {  	s0 =	sadd.s32 @!p0 $0x100000, s0  }
0x80: {  	[sflag:s0] =	ssyncadd.tile.s32 @!p0 $0x1;
	_ =	shalt  }
.Lfunc_end2:
_tile_overlayer_lowered:
.L_overlay_start_2:
0x81: {  	(tag) =	ssettag $0x2  }
0x82: {  	s0 =	rddreg [dreg:$0x0];
	s2 =	stileid.u32  }
0x83: {  	s1 =	rddreg [dreg:$0x1];
	p0 =	sne.s32 s2, $0x0  }
0x84: {  	s3 =	rddreg [dreg:$0x2];
	[bflag:$0x3] =	sbarrier.arrive $0xFFFF;
	s2 =	simm.s32 @!p0 $0x1C02  }
0x85: {  	[timem:s3], [sflag:s2] =	dma.local @!p0 [hbm:s0], s1  }
0x86: {  	s0 =	simm.s32 @!p0 $0x2  }
0x87: {  	_ =	swait.ge @!p0 [sflag:s0], s1  }
0x88: {  	s1 =	ssub.s32 @!p0 $0x0, s1;
	[sflag:s0] =	ssyncset.done @!p0 $0x0  }
0x89: {  	[sflag:s0] =	ssyncadd.s32 @!p0 s1  }
0x8a: {  	[bflag:$0x3] =	sbarrier.arrive $0xFFFF  }
0x8b: {  	_ =	shalt  }

</sc_bundles>
